<compile_context>
chip_gen: v7x
topology: tpu7x:2x2x1
jax: 0.10.2.dev20260603
libtpu: 0.0.44.dev20260713+nightly
codegen_flags: <defaults>
</compile_context>

<pallas_src>
import functools

import jax
import jax.numpy as jnp
from jax import lax
from jax.experimental import pallas as pl
from jax.experimental.pallas import tpu as pltpu
from jax.experimental.pallas import tpu_sc as plsc

N = 10000
E = 320000
H = 128
ED = 16
EM = 2
L = 3

NC = 2
NS = 16
NW = NC * NS
CH = 128

N_PAD = 10240
RPS = N_PAD // NS
CHUNKS = -(-E // (NW * CH))
E_PAD = NW * CH * CHUNKS
EW = CH * CHUNKS

BR = 512
BE = 512



def _in_proj_body(x_ref, w_ref, b_ref, w1h_ref, h_ref, np_ref):
    h = jnp.maximum(jnp.dot(x_ref[...], w_ref[...],
                            preferred_element_type=jnp.float32) + b_ref[...], 0.0)
    h_ref[...] = h
    np_ref[...] = jnp.dot(h, w1h_ref[...], preferred_element_type=jnp.float32)


def _in_proj(x_p, in_W, in_b, w1h0):
    grid = (N_PAD // BR,)
    return pl.pallas_call(
        _in_proj_body,
        grid=grid,
        in_specs=[
            pl.BlockSpec((BR, H), lambda i: (i, 0)),
            pl.BlockSpec((H, H), lambda i: (0, 0)),
            pl.BlockSpec((1, H), lambda i: (0, 0)),
            pl.BlockSpec((H, H), lambda i: (0, 0)),
        ],
        out_specs=[
            pl.BlockSpec((BR, H), lambda i: (i, 0)),
            pl.BlockSpec((BR, H), lambda i: (i, 0)),
        ],
        out_shape=[
            jax.ShapeDtypeStruct((N_PAD, H), jnp.float32),
            jax.ShapeDtypeStruct((N_PAD, H), jnp.float32),
        ],
    )(x_p, in_W, in_b, w1h0)


def _edge_pre_body(ea_ref, em_ref, wa_ref, wm_ref, b1_ref, out_ref):
    acc = jnp.dot(ea_ref[...], wa_ref[0], preferred_element_type=jnp.float32)
    acc = acc + jnp.dot(em_ref[...], wm_ref[0], preferred_element_type=jnp.float32)
    out_ref[0] = acc + b1_ref[0]


def _edge_pre(ea_p, em_p, wa, wm, b1):
    grid = (L, E_PAD // BE)
    return pl.pallas_call(
        _edge_pre_body,
        grid=grid,
        in_specs=[
            pl.BlockSpec((BE, ED), lambda l, e: (e, 0)),
            pl.BlockSpec((BE, EM), lambda l, e: (e, 0)),
            pl.BlockSpec((1, ED, H), lambda l, e: (l, 0, 0)),
            pl.BlockSpec((1, EM, H), lambda l, e: (l, 0, 0)),
            pl.BlockSpec((1, 1, H), lambda l, e: (l, 0, 0)),
        ],
        out_specs=pl.BlockSpec((1, BE, H), lambda l, e: (l, e, 0)),
        out_shape=jax.ShapeDtypeStruct((L, E_PAD, H), jnp.float32),
    )(ea_p, em_p, wa, wm, b1)


def _update_common(pp_ref, deg_ref, h_ref, w2_ref, b2_ref,
                   uw1h_ref, uw1n_ref, ub1_ref, uw2_ref, ub2_ref):
    s = pp_ref[0] + pp_ref[1]
    deg = deg_ref[...]
    deg = jnp.where(deg == 0.0, 1.0, deg)
    neigh = jnp.dot(s / deg, w2_ref[...],
                    preferred_element_type=jnp.float32) + b2_ref[...]
    h = h_ref[...]
    u = jnp.maximum(
        jnp.dot(h, uw1h_ref[...], preferred_element_type=jnp.float32)
        + jnp.dot(neigh, uw1n_ref[...], preferred_element_type=jnp.float32)
        + ub1_ref[...], 0.0)
    u = jnp.dot(u, uw2_ref[...], preferred_element_type=jnp.float32) + ub2_ref[...]
    return jnp.maximum(h + u, 0.0)


def _update_mid_body(pp_ref, deg_ref, h_ref, w2_ref, b2_ref,
                     uw1h_ref, uw1n_ref, ub1_ref, uw2_ref, ub2_ref, w1hn_ref,
                     hn_ref, npn_ref):
    hn = _update_common(pp_ref, deg_ref, h_ref, w2_ref, b2_ref,
                        uw1h_ref, uw1n_ref, ub1_ref, uw2_ref, ub2_ref)
    hn_ref[...] = hn
    npn_ref[...] = jnp.dot(hn, w1hn_ref[...], preferred_element_type=jnp.float32)


def _update_last_body(pp_ref, deg_ref, h_ref, w2_ref, b2_ref,
                      uw1h_ref, uw1n_ref, ub1_ref, uw2_ref, ub2_ref,
                      pw1_ref, pb1_ref, pw2_ref, pb2_ref, p_ref):
    hn = _update_common(pp_ref, deg_ref, h_ref, w2_ref, b2_ref,
                        uw1h_ref, uw1n_ref, ub1_ref, uw2_ref, ub2_ref)
    q = jnp.maximum(jnp.dot(hn, pw1_ref[...],
                            preferred_element_type=jnp.float32) + pb1_ref[...], 0.0)
    p_ref[...] = jnp.dot(q, pw2_ref[...],
                         preferred_element_type=jnp.float32) + pb2_ref[...]


def _wspec(shape):
    nd = len(shape)
    return pl.BlockSpec(shape, lambda i, _nd=nd: (0,) * _nd)


def _update_mid(partial, deg_p, h, w2, b2, uw1h, uw1n, ub1, uw2, ub2, w1hn):
    grid = (N_PAD // BR,)
    return pl.pallas_call(
        _update_mid_body,
        grid=grid,
        in_specs=[
            pl.BlockSpec((NC, BR, H), lambda i: (0, i, 0)),
            pl.BlockSpec((BR, 1), lambda i: (i, 0)),
            pl.BlockSpec((BR, H), lambda i: (i, 0)),
            _wspec((H, H)), _wspec((1, H)),
            _wspec((H, H)), _wspec((H, H)), _wspec((1, H)),
            _wspec((H, H)), _wspec((1, H)), _wspec((H, H)),
        ],
        out_specs=[
            pl.BlockSpec((BR, H), lambda i: (i, 0)),
            pl.BlockSpec((BR, H), lambda i: (i, 0)),
        ],
        out_shape=[
            jax.ShapeDtypeStruct((N_PAD, H), jnp.float32),
            jax.ShapeDtypeStruct((N_PAD, H), jnp.float32),
        ],
    )(partial, deg_p, h, w2, b2, uw1h, uw1n, ub1, uw2, ub2, w1hn)


def _update_last(partial, deg_p, h, w2, b2, uw1h, uw1n, ub1, uw2, ub2,
                 pw1, pb1, pw2, pb2):
    grid = (N_PAD // BR,)
    hh = pw1.shape[1]
    return pl.pallas_call(
        _update_last_body,
        grid=grid,
        in_specs=[
            pl.BlockSpec((NC, BR, H), lambda i: (0, i, 0)),
            pl.BlockSpec((BR, 1), lambda i: (i, 0)),
            pl.BlockSpec((BR, H), lambda i: (i, 0)),
            _wspec((H, H)), _wspec((1, H)),
            _wspec((H, H)), _wspec((H, H)), _wspec((1, H)),
            _wspec((H, H)), _wspec((1, H)),
            _wspec((H, hh)), _wspec((1, hh)), _wspec((hh, 1)), _wspec((1, 1)),
        ],
        out_specs=pl.BlockSpec((BR, 1), lambda i: (i, 0)),
        out_shape=jax.ShapeDtypeStruct((N_PAD, 1), jnp.float32),
    )(partial, deg_p, h, w2, b2, uw1h, uw1n, ub1, uw2, ub2, pw1, pb1, pw2, pb2)



def _sc_scatter_body(np_hbm, ep_hbm, src_hbm, dst_hbm, out_hbm,
                     acc, src_v, dst_v, gath_v, ep_v, sem, ep_base):
    cid = lax.axis_index("c")
    sid = lax.axis_index("s")
    wid = sid * NC + cid

    def zrow(i, _):
        gath_v[i // 8, pl.ds((i % 8) * 16, 16)] = jnp.zeros((16,), jnp.float32)
        return 0
    lax.fori_loop(0, CH * 8, zrow, 0)
    for j in range(RPS // CH):
        pltpu.sync_copy(gath_v, acc.at[pl.ds(sid * RPS + j * CH, CH)])
    plsc.subcore_barrier()

    def chunk(c, _):
        base = wid * EW + c * CH
        pltpu.sync_copy(src_hbm.at[pl.ds(base, CH)], src_v)
        pltpu.sync_copy(dst_hbm.at[pl.ds(base, CH)], dst_v)
        pltpu.async_copy(np_hbm.at[src_v], gath_v, sem).wait()
        pltpu.sync_copy(ep_hbm.at[pl.ds(ep_base + base, CH)], ep_v)

        def crow(i, _):
            r = i // 8
            cc = (i % 8) * 16
            v = gath_v[r, pl.ds(cc, 16)] + ep_v[r, pl.ds(cc, 16)]
            ep_v[r, pl.ds(cc, 16)] = jnp.maximum(v, 0.0)
            return 0
        lax.fori_loop(0, CH * 8, crow, 0)
        pltpu.sync_copy(ep_v, acc.at[dst_v], add=True)
        return 0
    lax.fori_loop(0, CHUNKS, chunk, 0)
    plsc.subcore_barrier()

    pltpu.sync_copy(acc.at[pl.ds(sid * RPS, RPS)],
                    out_hbm.at[cid, pl.ds(sid * RPS, RPS)])


def _sc_scatter(node_pre, ep_flat, src_p, dst_p, layer):
    mesh = plsc.VectorSubcoreMesh(core_axis_name="c", subcore_axis_name="s",
                                  num_cores=NC, num_subcores=NS)
    body = functools.partial(_sc_scatter_body, ep_base=layer * E_PAD)
    return pl.kernel(
        body,
        mesh=mesh,
        out_type=jax.ShapeDtypeStruct((NC, N_PAD, H), jnp.float32),
        scratch_types=[
            pltpu.VMEM_SHARED((N_PAD, H), jnp.float32),
            pltpu.VMEM((CH,), jnp.int32),
            pltpu.VMEM((CH,), jnp.int32),
            pltpu.VMEM((CH, H), jnp.float32),
            pltpu.VMEM((CH, H), jnp.float32),
            pltpu.SemaphoreType.DMA,
        ],
    )(node_pre, ep_flat, src_p, dst_p)



def kernel(x, edge_index, edge_attr, edge_mark, deg_out,
           in_W, in_b,
           msg_W1, msg_b1, msg_W2, msg_b2,
           up_W1, up_b1, up_W2, up_b2,
           pred_W1, pred_b1, pred_W2, pred_b2):
    x_p = jnp.pad(x, ((0, N_PAD - N), (0, 0)))
    deg_p = jnp.pad(deg_out, (0, N_PAD - N)).reshape(N_PAD, 1)
    src_p = jnp.pad(edge_index[0], (0, E_PAD - E))
    dst_p = jnp.pad(edge_index[1], (0, E_PAD - E), constant_values=N)
    ea_p = jnp.pad(edge_attr, ((0, E_PAD - E), (0, 0)))
    em_p = jnp.pad(edge_mark, ((0, E_PAD - E), (0, 0)))

    w1h = msg_W1[:, :H]
    wa = msg_W1[:, H:H + ED]
    wm = msg_W1[:, H + ED:]
    b1 = msg_b1.reshape(L, 1, H)

    h, np_cur = _in_proj(x_p, in_W, in_b.reshape(1, H), w1h[0])
    ep_all = _edge_pre(ea_p, em_p, wa, wm, b1)
    ep_flat = ep_all.reshape(L * E_PAD, H)

    p = None
    for l in range(L):
        partial = _sc_scatter(np_cur, ep_flat, src_p, dst_p, l)
        if l < L - 1:
            h, np_cur = _update_mid(
                partial, deg_p, h, msg_W2[l], msg_b2[l].reshape(1, H),
                up_W1[l, :H], up_W1[l, H:], up_b1[l].reshape(1, H),
                up_W2[l], up_b2[l].reshape(1, H), w1h[l + 1])
        else:
            p = _update_last(
                partial, deg_p, h, msg_W2[l], msg_b2[l].reshape(1, H),
                up_W1[l, :H], up_W1[l, H:], up_b1[l].reshape(1, H),
                up_W2[l], up_b2[l].reshape(1, H),
                pred_W1, pred_b1.reshape(1, -1), pred_W2, pred_b2.reshape(1, 1))
    return p[:N, 0]

# --- scband reference (transcript-rebuilt; emitter-appended) ---
"""Pipeline reference for scband-charm-83940840833097 (READ-ONLY COPY).

The authoritative reference and input builder live on the scoring server;
editing this copy changes nothing except your own understanding.
"""

import jax, jax.numpy as jnp
import numpy as np

N = 10000
E = 320000
D = 128   # base_dim / node_dim (hidden_dim == node_dim here)
ED = 16   # edge_dim
H = 128   # hidden_dim
L = 3     # gnn_layers


def _mlp2(x, W1, b1, W2, b2):
    # make_mlp(in, [hidden], out) == Linear -> ReLU -> Linear
    return jnp.maximum(x @ W1 + b1, 0.0) @ W2 + b2


def setup_inputs(seed: int = 0) -> dict:
    key = jax.random.key(seed)
    ks = jax.random.split(key, 24)
    x = jax.random.normal(ks[0], (N, D), dtype=jnp.float32)
    edge_index = jax.random.randint(ks[1], (2, E), 0, N, dtype=jnp.int32)
    edge_attr = jax.random.normal(ks[2], (E, ED), dtype=jnp.float32)
    edge_mark = jax.random.normal(ks[3], (E, 2), dtype=jnp.float32)
    # deg_out is the out-aggregation degree of each dst node (faithful to a real graph)
    deg_out = jax.ops.segment_sum(jnp.ones((E,), dtype=jnp.float32), edge_index[1], num_segments=N)
    s = 0.05
    params = {
        "in_W": jax.random.normal(ks[4], (D, H), dtype=jnp.float32) * s,
        "in_b": jnp.zeros((H,), dtype=jnp.float32),
        "msg_W1": jax.random.normal(ks[5], (L, H + ED + 2, H), dtype=jnp.float32) * s,
        "msg_b1": jnp.zeros((L, H), dtype=jnp.float32),
        "msg_W2": jax.random.normal(ks[6], (L, H, H), dtype=jnp.float32) * s,
        "msg_b2": jnp.zeros((L, H), dtype=jnp.float32),
        "up_W1": jax.random.normal(ks[7], (L, H + H, H), dtype=jnp.float32) * s,
        "up_b1": jnp.zeros((L, H), dtype=jnp.float32),
        "up_W2": jax.random.normal(ks[8], (L, H, H), dtype=jnp.float32) * s,
        "up_b2": jnp.zeros((L, H), dtype=jnp.float32),
        "pred_W1": jax.random.normal(ks[9], (H, H // 2), dtype=jnp.float32) * s,
        "pred_b1": jnp.zeros((H // 2,), dtype=jnp.float32),
        "pred_W2": jax.random.normal(ks[10], (H // 2, 1), dtype=jnp.float32) * s,
        "pred_b2": jnp.zeros((1,), dtype=jnp.float32),
    }
    inp = {"x": x, "edge_index": edge_index, "edge_attr": edge_attr,
           "edge_mark": edge_mark, "deg_out": deg_out}
    inp.update(params)
    return inp


def reference(x, edge_index, edge_attr, edge_mark, deg_out,
              in_W, in_b,
              msg_W1, msg_b1, msg_W2, msg_b2,
              up_W1, up_b1, up_W2, up_b2,
              pred_W1, pred_b1, pred_W2, pred_b2):
    src = edge_index[0]
    dst = edge_index[1]
    h = jnp.maximum(x @ in_W + in_b, 0.0)
    deg = jnp.where(deg_out == 0, 1.0, deg_out)
    for l in range(L):
        # message: msg_mlp(cat([x_j, edge_attr, edge_mark]))
        m_in = jnp.concatenate([h[src], edge_attr, edge_mark], axis=-1)
        msg = _mlp2(m_in, msg_W1[l], msg_b1[l], msg_W2[l], msg_b2[l])
        # aggr='add' at dst nodes
        aggr = jax.ops.segment_sum(msg, dst, num_segments=N)
        neigh_avg = aggr / deg[:, None]
        out = _mlp2(jnp.concatenate([h, neigh_avg], axis=-1), up_W1[l], up_b1[l], up_W2[l], up_b2[l])
        h = jnp.maximum(h + out, 0.0)  # residual + outer ReLU
    p = jnp.maximum(h @ pred_W1 + pred_b1, 0.0)  # Dropout is eval no-op
    p = p @ pred_W2 + pred_b2
    return p.reshape(-1)

if __name__ == "__main__":
    import jax
    _d = setup_inputs()
    print(jax.jit(kernel)(*tuple(_d.values())))

</pallas_src>

<mosaic_0001>
#map = affine_map<(d0, d1) -> (0, 0)>
#map1 = affine_map<(d0, d1) -> (0)>
#map2 = affine_map<(d0, d1) -> (0, 0, 0)>
module attributes {stable_mosaic.version = 14 : i64} {
  func.func @_sc_scatter_body(%arg0: i32, %arg1: i32, %arg2: memref<10240x128xf32, #tpu.memory_space<hbm>>, %arg3: memref<970752x128xf32, #tpu.memory_space<hbm>>, %arg4: memref<323584xi32, #tpu.memory_space<hbm>>, %arg5: memref<323584xi32, #tpu.memory_space<hbm>>, %arg6: memref<2x10240x128xf32, #tpu.memory_space<hbm>>, %arg7: memref<10240x128xf32, #tpu.memory_space<vmem_shared>>, %arg8: memref<128xi32, #tpu.memory_space<vmem>>, %arg9: memref<128xi32, #tpu.memory_space<vmem>>, %arg10: memref<128x128xf32, #tpu.memory_space<vmem>>, %arg11: memref<128x128xf32, #tpu.memory_space<vmem>>, %arg12: memref<!tpu.dma_semaphore, #tpu.memory_space<semaphore_mem>>) attributes {dimension_semantics = [#tpu.dimension_semantics<core_parallel>, #tpu.dimension_semantics<subcore_parallel>], iteration_bounds = array<i64: 2, 16>, scalar_prefetch = 0 : i64, scratch_operands = 6 : i64, tpu.core_type = #tpu.core_type<sc_vector_subcore>, window_params = [{transform_indices = #map}, {transform_indices = #map}, {transform_indices = #map1}, {transform_indices = #map1}, {transform_indices = #map2}]} {
    %mul3A = arith.constant 2 : i32
    %mul3A_0 = arith.muli %arg1, %mul3A : i32
    %add3A = arith.addi %mul3A_0, %arg0 : i32
    %scan3A = arith.constant 0 : i32
    %scan3A_1 = arith.constant 0 : i32
    %scan3A_2 = arith.constant 1024 : i32
    %scan3A_3 = arith.addi %scan3A_1, %scan3A_2 : i32
    %scan3A_4 = arith.constant 1 : i32
    %scan3A_5 = scf.for %scan3A_39 = %scan3A_1 to %scan3A_3 step %scan3A_4 iter_args(%scan3A_40 = %scan3A) -> (i32)  : i32 {
      %broadcast_in_dim3A = arith.constant 0.000000e+00 : f32
      %broadcast_in_dim3A_41 = vector.broadcast %broadcast_in_dim3A : f32 to vector<16xf32>
      %jit3A = arith.constant 8 : i32
      %div3A = arith.divsi %scan3A_39, %jit3A : i32
      %sign3A = arith.constant 0 : i32
      %sign3A_42 = arith.cmpi sgt, %scan3A_39, %sign3A : i32
      %sign3A_43 = arith.extui %sign3A_42 : i1 to i32
      %sign3A_44 = arith.constant 0 : i32
      %sign3A_45 = arith.cmpi slt, %scan3A_39, %sign3A_44 : i32
      %sign3A_46 = arith.extui %sign3A_45 : i1 to i32
      %sign3A_47 = arith.subi %sign3A_43, %sign3A_46 : i32
      %sign3A_48 = arith.constant 0 : i32
      %sign3A_49 = arith.cmpi sgt, %jit3A, %sign3A_48 : i32
      %sign3A_50 = arith.extui %sign3A_49 : i1 to i32
      %sign3A_51 = arith.constant 0 : i32
      %sign3A_52 = arith.cmpi slt, %jit3A, %sign3A_51 : i32
      %sign3A_53 = arith.extui %sign3A_52 : i1 to i32
      %sign3A_54 = arith.subi %sign3A_50, %sign3A_53 : i32
      %ne3A = arith.cmpi ne, %sign3A_47, %sign3A_54 : i32
      %rem3A = arith.remsi %scan3A_39, %jit3A : i32
      %ne3A_55 = arith.constant 0 : i32
      %ne3A_56 = arith.cmpi ne, %rem3A, %ne3A_55 : i32
      %and3A = arith.andi %ne3A, %ne3A_56 : i1
      %sub3A = arith.constant 1 : i32
      %sub3A_57 = arith.subi %div3A, %sub3A : i32
      %select_n3A = arith.select %and3A, %sub3A_57, %div3A : i32
      %jit3A_58 = arith.constant 8 : i32
      %eq3A = arith.constant 0 : i32
      %eq3A_59 = arith.cmpi eq, %jit3A_58, %eq3A : i32
      %jit3A_60 = arith.constant 1 : i32
      %select_n3A_61 = arith.select %eq3A_59, %jit3A_60, %jit3A_58 : i32
      %rem3A_62 = arith.remsi %scan3A_39, %select_n3A_61 : i32
      %ne3A_63 = arith.constant 0 : i32
      %ne3A_64 = arith.cmpi ne, %rem3A_62, %ne3A_63 : i32
      %lt3A = arith.constant 0 : i32
      %lt3A_65 = arith.cmpi slt, %rem3A_62, %lt3A : i32
      %lt3A_66 = arith.constant 0 : i32
      %lt3A_67 = arith.cmpi slt, %select_n3A_61, %lt3A_66 : i32
      %ne3A_68 = arith.xori %lt3A_65, %lt3A_67 : i1
      %and3A_69 = arith.andi %ne3A_68, %ne3A_64 : i1
      %add3A_70 = arith.addi %rem3A_62, %select_n3A_61 : i32
      %select_n3A_71 = arith.select %and3A_69, %add3A_70, %rem3A_62 : i32
      %mul3A_72 = arith.constant 16 : i32
      %mul3A_73 = arith.muli %select_n3A_71, %mul3A_72 : i32
      %swap3A = arith.index_cast %select_n3A : i32 to index
      %swap3A_74 = arith.index_cast %mul3A_73 : i32 to index
      %swap3A_75 = tpu.vector_load %arg10[%swap3A, %swap3A_74] {strides = array<i32>} : memref<128x128xf32, #tpu.memory_space<vmem>>, vector<1x16xf32>,
      %swap3A_76 = vector.shape_cast %swap3A_75 : vector<1x16xf32> to vector<16xf32>
      %swap3A_77 = vector.shape_cast %broadcast_in_dim3A_41 : vector<16xf32> to vector<1x16xf32>
      tpu.vector_store %arg10[%swap3A, %swap3A_74], %swap3A_77 {strides = array<i32>} : memref<128x128xf32, #tpu.memory_space<vmem>>, vector<1x16xf32>,
      %scan3A_78 = arith.constant 0 : i32
      scf.yield %scan3A_78 : i32
    }
    %scan3A_6 = arith.constant 1024 : i32
    %mul3A_7 = arith.constant 640 : i32
    %mul3A_8 = arith.muli %arg1, %mul3A_7 : i32
    %add3A_9 = arith.constant 0 : i32
    %add3A_10 = arith.addi %mul3A_8, %add3A_9 : i32
    "tpu.region"() ({
      %run_scoped3A = tpu.sem_alloc : memref<!tpu.dma_semaphore, #tpu.memory_space<semaphore_mem>>
      %dma_start3A = arith.constant 0 : i32
      %dma_start3A_39 = tpu.memref_slice %arg7[%add3A_10, %dma_start3A] : memref<10240x128xf32, #tpu.memory_space<vmem_shared>> -> memref<128x128xf32, #tpu.memory_space<vmem_shared>>
      %dma_start3A_40 = arith.constant 0 : i32
      %dma_start3A_41 = tpu.memref_slice %arg7[%add3A_10, %dma_start3A_40] : memref<10240x128xf32, #tpu.memory_space<vmem_shared>> -> memref<128x128xf32, #tpu.memory_space<vmem_shared>>
      tpu.enqueue_dma source(%arg10 : memref<128x128xf32, #tpu.memory_space<vmem>>) target(%dma_start3A_41 : memref<128x128xf32, #tpu.memory_space<vmem_shared>>) target_semaphore(%run_scoped3A : memref<!tpu.dma_semaphore, #tpu.memory_space<semaphore_mem>>)
      %dma_wait3A = arith.constant 0 : i32
      %dma_wait3A_42 = tpu.memref_slice %arg7[%add3A_10, %dma_wait3A] : memref<10240x128xf32, #tpu.memory_space<vmem_shared>> -> memref<128x128xf32, #tpu.memory_space<vmem_shared>>
      %dma_wait3A_43 = arith.constant 0 : i32
      %dma_wait3A_44 = tpu.memref_slice %arg7[%add3A_10, %dma_wait3A_43] : memref<10240x128xf32, #tpu.memory_space<vmem_shared>> -> memref<128x128xf32, #tpu.memory_space<vmem_shared>>
      tpu.wait_dma2 semaphore(%run_scoped3A : memref<!tpu.dma_semaphore, #tpu.memory_space<semaphore_mem>>) src(%arg10 : memref<128x128xf32, #tpu.memory_space<vmem>>) dst(%dma_wait3A_44 : memref<128x128xf32, #tpu.memory_space<vmem_shared>>)
      tpu.yield
    }) : () -> ()
    %mul3A_11 = arith.constant 640 : i32
    %mul3A_12 = arith.muli %arg1, %mul3A_11 : i32
    %add3A_13 = arith.constant 128 : i32
    %add3A_14 = arith.addi %mul3A_12, %add3A_13 : i32
    "tpu.region"() ({
      %run_scoped3A = tpu.sem_alloc : memref<!tpu.dma_semaphore, #tpu.memory_space<semaphore_mem>>
      %dma_start3A = arith.constant 0 : i32
      %dma_start3A_39 = tpu.memref_slice %arg7[%add3A_14, %dma_start3A] : memref<10240x128xf32, #tpu.memory_space<vmem_shared>> -> memref<128x128xf32, #tpu.memory_space<vmem_shared>>
      %dma_start3A_40 = arith.constant 0 : i32
      %dma_start3A_41 = tpu.memref_slice %arg7[%add3A_14, %dma_start3A_40] : memref<10240x128xf32, #tpu.memory_space<vmem_shared>> -> memref<128x128xf32, #tpu.memory_space<vmem_shared>>
      tpu.enqueue_dma source(%arg10 : memref<128x128xf32, #tpu.memory_space<vmem>>) target(%dma_start3A_41 : memref<128x128xf32, #tpu.memory_space<vmem_shared>>) target_semaphore(%run_scoped3A : memref<!tpu.dma_semaphore, #tpu.memory_space<semaphore_mem>>)
      %dma_wait3A = arith.constant 0 : i32
      %dma_wait3A_42 = tpu.memref_slice %arg7[%add3A_14, %dma_wait3A] : memref<10240x128xf32, #tpu.memory_space<vmem_shared>> -> memref<128x128xf32, #tpu.memory_space<vmem_shared>>
      %dma_wait3A_43 = arith.constant 0 : i32
      %dma_wait3A_44 = tpu.memref_slice %arg7[%add3A_14, %dma_wait3A_43] : memref<10240x128xf32, #tpu.memory_space<vmem_shared>> -> memref<128x128xf32, #tpu.memory_space<vmem_shared>>
      tpu.wait_dma2 semaphore(%run_scoped3A : memref<!tpu.dma_semaphore, #tpu.memory_space<semaphore_mem>>) src(%arg10 : memref<128x128xf32, #tpu.memory_space<vmem>>) dst(%dma_wait3A_44 : memref<128x128xf32, #tpu.memory_space<vmem_shared>>)
      tpu.yield
    }) : () -> ()
    %mul3A_15 = arith.constant 640 : i32
    %mul3A_16 = arith.muli %arg1, %mul3A_15 : i32
    %add3A_17 = arith.constant 256 : i32
    %add3A_18 = arith.addi %mul3A_16, %add3A_17 : i32
    "tpu.region"() ({
      %run_scoped3A = tpu.sem_alloc : memref<!tpu.dma_semaphore, #tpu.memory_space<semaphore_mem>>
      %dma_start3A = arith.constant 0 : i32
      %dma_start3A_39 = tpu.memref_slice %arg7[%add3A_18, %dma_start3A] : memref<10240x128xf32, #tpu.memory_space<vmem_shared>> -> memref<128x128xf32, #tpu.memory_space<vmem_shared>>
      %dma_start3A_40 = arith.constant 0 : i32
      %dma_start3A_41 = tpu.memref_slice %arg7[%add3A_18, %dma_start3A_40] : memref<10240x128xf32, #tpu.memory_space<vmem_shared>> -> memref<128x128xf32, #tpu.memory_space<vmem_shared>>
      tpu.enqueue_dma source(%arg10 : memref<128x128xf32, #tpu.memory_space<vmem>>) target(%dma_start3A_41 : memref<128x128xf32, #tpu.memory_space<vmem_shared>>) target_semaphore(%run_scoped3A : memref<!tpu.dma_semaphore, #tpu.memory_space<semaphore_mem>>)
      %dma_wait3A = arith.constant 0 : i32
      %dma_wait3A_42 = tpu.memref_slice %arg7[%add3A_18, %dma_wait3A] : memref<10240x128xf32, #tpu.memory_space<vmem_shared>> -> memref<128x128xf32, #tpu.memory_space<vmem_shared>>
      %dma_wait3A_43 = arith.constant 0 : i32
      %dma_wait3A_44 = tpu.memref_slice %arg7[%add3A_18, %dma_wait3A_43] : memref<10240x128xf32, #tpu.memory_space<vmem_shared>> -> memref<128x128xf32, #tpu.memory_space<vmem_shared>>
      tpu.wait_dma2 semaphore(%run_scoped3A : memref<!tpu.dma_semaphore, #tpu.memory_space<semaphore_mem>>) src(%arg10 : memref<128x128xf32, #tpu.memory_space<vmem>>) dst(%dma_wait3A_44 : memref<128x128xf32, #tpu.memory_space<vmem_shared>>)
      tpu.yield
    }) : () -> ()
    %mul3A_19 = arith.constant 640 : i32
    %mul3A_20 = arith.muli %arg1, %mul3A_19 : i32
    %add3A_21 = arith.constant 384 : i32
    %add3A_22 = arith.addi %mul3A_20, %add3A_21 : i32
    "tpu.region"() ({
      %run_scoped3A = tpu.sem_alloc : memref<!tpu.dma_semaphore, #tpu.memory_space<semaphore_mem>>
      %dma_start3A = arith.constant 0 : i32
      %dma_start3A_39 = tpu.memref_slice %arg7[%add3A_22, %dma_start3A] : memref<10240x128xf32, #tpu.memory_space<vmem_shared>> -> memref<128x128xf32, #tpu.memory_space<vmem_shared>>
      %dma_start3A_40 = arith.constant 0 : i32
      %dma_start3A_41 = tpu.memref_slice %arg7[%add3A_22, %dma_start3A_40] : memref<10240x128xf32, #tpu.memory_space<vmem_shared>> -> memref<128x128xf32, #tpu.memory_space<vmem_shared>>
      tpu.enqueue_dma source(%arg10 : memref<128x128xf32, #tpu.memory_space<vmem>>) target(%dma_start3A_41 : memref<128x128xf32, #tpu.memory_space<vmem_shared>>) target_semaphore(%run_scoped3A : memref<!tpu.dma_semaphore, #tpu.memory_space<semaphore_mem>>)
      %dma_wait3A = arith.constant 0 : i32
      %dma_wait3A_42 = tpu.memref_slice %arg7[%add3A_22, %dma_wait3A] : memref<10240x128xf32, #tpu.memory_space<vmem_shared>> -> memref<128x128xf32, #tpu.memory_space<vmem_shared>>
      %dma_wait3A_43 = arith.constant 0 : i32
      %dma_wait3A_44 = tpu.memref_slice %arg7[%add3A_22, %dma_wait3A_43] : memref<10240x128xf32, #tpu.memory_space<vmem_shared>> -> memref<128x128xf32, #tpu.memory_space<vmem_shared>>
      tpu.wait_dma2 semaphore(%run_scoped3A : memref<!tpu.dma_semaphore, #tpu.memory_space<semaphore_mem>>) src(%arg10 : memref<128x128xf32, #tpu.memory_space<vmem>>) dst(%dma_wait3A_44 : memref<128x128xf32, #tpu.memory_space<vmem_shared>>)
      tpu.yield
    }) : () -> ()
    %mul3A_23 = arith.constant 640 : i32
    %mul3A_24 = arith.muli %arg1, %mul3A_23 : i32
    %add3A_25 = arith.constant 512 : i32
    %add3A_26 = arith.addi %mul3A_24, %add3A_25 : i32
    "tpu.region"() ({
      %run_scoped3A = tpu.sem_alloc : memref<!tpu.dma_semaphore, #tpu.memory_space<semaphore_mem>>
      %dma_start3A = arith.constant 0 : i32
      %dma_start3A_39 = tpu.memref_slice %arg7[%add3A_26, %dma_start3A] : memref<10240x128xf32, #tpu.memory_space<vmem_shared>> -> memref<128x128xf32, #tpu.memory_space<vmem_shared>>
      %dma_start3A_40 = arith.constant 0 : i32
      %dma_start3A_41 = tpu.memref_slice %arg7[%add3A_26, %dma_start3A_40] : memref<10240x128xf32, #tpu.memory_space<vmem_shared>> -> memref<128x128xf32, #tpu.memory_space<vmem_shared>>
      tpu.enqueue_dma source(%arg10 : memref<128x128xf32, #tpu.memory_space<vmem>>) target(%dma_start3A_41 : memref<128x128xf32, #tpu.memory_space<vmem_shared>>) target_semaphore(%run_scoped3A : memref<!tpu.dma_semaphore, #tpu.memory_space<semaphore_mem>>)
      %dma_wait3A = arith.constant 0 : i32
      %dma_wait3A_42 = tpu.memref_slice %arg7[%add3A_26, %dma_wait3A] : memref<10240x128xf32, #tpu.memory_space<vmem_shared>> -> memref<128x128xf32, #tpu.memory_space<vmem_shared>>
      %dma_wait3A_43 = arith.constant 0 : i32
      %dma_wait3A_44 = tpu.memref_slice %arg7[%add3A_26, %dma_wait3A_43] : memref<10240x128xf32, #tpu.memory_space<vmem_shared>> -> memref<128x128xf32, #tpu.memory_space<vmem_shared>>
      tpu.wait_dma2 semaphore(%run_scoped3A : memref<!tpu.dma_semaphore, #tpu.memory_space<semaphore_mem>>) src(%arg10 : memref<128x128xf32, #tpu.memory_space<vmem>>) dst(%dma_wait3A_44 : memref<128x128xf32, #tpu.memory_space<vmem_shared>>)
      tpu.yield
    }) : () -> ()
    %barrier3A = arith.constant 0 : index
    tpu.barrier barrier_id(%barrier3A)
    %scan3A_27 = arith.constant 0 : i32
    %scan3A_28 = arith.constant 0 : i32
    %scan3A_29 = arith.constant 79 : i32
    %scan3A_30 = arith.addi %scan3A_28, %scan3A_29 : i32
    %scan3A_31 = arith.constant 1 : i32
    %scan3A_32 = scf.for %scan3A_39 = %scan3A_28 to %scan3A_30 step %scan3A_31 iter_args(%scan3A_40 = %scan3A_27) -> (i32)  : i32 {
      %mul3A_41 = arith.constant 10112 : i32
      %mul3A_42 = arith.muli %add3A, %mul3A_41 : i32
      %mul3A_43 = arith.constant 128 : i32
      %mul3A_44 = arith.muli %scan3A_39, %mul3A_43 : i32
      %add3A_45 = arith.addi %mul3A_42, %mul3A_44 : i32
      "tpu.region"() ({
        %run_scoped3A = tpu.sem_alloc : memref<!tpu.dma_semaphore, #tpu.memory_space<semaphore_mem>>
        %dma_start3A_60 = tpu.memref_slice %arg4[%add3A_45] : memref<323584xi32, #tpu.memory_space<hbm>> -> memref<128xi32, #tpu.memory_space<hbm>>
        %dma_start3A_61 = tpu.memref_slice %arg4[%add3A_45] : memref<323584xi32, #tpu.memory_space<hbm>> -> memref<128xi32, #tpu.memory_space<hbm>>
        tpu.enqueue_dma source(%dma_start3A_61 : memref<128xi32, #tpu.memory_space<hbm>>) target(%arg8 : memref<128xi32, #tpu.memory_space<vmem>>) target_semaphore(%run_scoped3A : memref<!tpu.dma_semaphore, #tpu.memory_space<semaphore_mem>>)
        %dma_wait3A_62 = tpu.memref_slice %arg4[%add3A_45] : memref<323584xi32, #tpu.memory_space<hbm>> -> memref<128xi32, #tpu.memory_space<hbm>>
        %dma_wait3A_63 = tpu.memref_slice %arg4[%add3A_45] : memref<323584xi32, #tpu.memory_space<hbm>> -> memref<128xi32, #tpu.memory_space<hbm>>
        tpu.wait_dma2 semaphore(%run_scoped3A : memref<!tpu.dma_semaphore, #tpu.memory_space<semaphore_mem>>) src(%dma_wait3A_63 : memref<128xi32, #tpu.memory_space<hbm>>) dst(%arg8 : memref<128xi32, #tpu.memory_space<vmem>>)
        tpu.yield
      }) : () -> ()
      "tpu.region"() ({
        %run_scoped3A = tpu.sem_alloc : memref<!tpu.dma_semaphore, #tpu.memory_space<semaphore_mem>>
        %dma_start3A_60 = tpu.memref_slice %arg5[%add3A_45] : memref<323584xi32, #tpu.memory_space<hbm>> -> memref<128xi32, #tpu.memory_space<hbm>>
        %dma_start3A_61 = tpu.memref_slice %arg5[%add3A_45] : memref<323584xi32, #tpu.memory_space<hbm>> -> memref<128xi32, #tpu.memory_space<hbm>>
        tpu.enqueue_dma source(%dma_start3A_61 : memref<128xi32, #tpu.memory_space<hbm>>) target(%arg9 : memref<128xi32, #tpu.memory_space<vmem>>) target_semaphore(%run_scoped3A : memref<!tpu.dma_semaphore, #tpu.memory_space<semaphore_mem>>)
        %dma_wait3A_62 = tpu.memref_slice %arg5[%add3A_45] : memref<323584xi32, #tpu.memory_space<hbm>> -> memref<128xi32, #tpu.memory_space<hbm>>
        %dma_wait3A_63 = tpu.memref_slice %arg5[%add3A_45] : memref<323584xi32, #tpu.memory_space<hbm>> -> memref<128xi32, #tpu.memory_space<hbm>>
        tpu.wait_dma2 semaphore(%run_scoped3A : memref<!tpu.dma_semaphore, #tpu.memory_space<semaphore_mem>>) src(%dma_wait3A_63 : memref<128xi32, #tpu.memory_space<hbm>>) dst(%arg9 : memref<128xi32, #tpu.memory_space<vmem>>)
        tpu.yield
      }) : () -> ()
      %dma_start3A = arith.constant 0 : i32
      %dma_start3A_46 = arith.constant 0 : i32
      %dma_start3A_47 = tpu.memref_slice %arg2[%dma_start3A, %dma_start3A_46] : memref<10240x128xf32, #tpu.memory_space<hbm>> -> memref<10240x128xf32, #tpu.memory_space<hbm>>
      tpu.enqueue_indirect_dma source(%dma_start3A_47 : memref<10240x128xf32, #tpu.memory_space<hbm>>) target(%arg10 : memref<128x128xf32, #tpu.memory_space<vmem>>) offsets(%arg8 : memref<128xi32, #tpu.memory_space<vmem>>) semaphore(%arg12 : memref<!tpu.dma_semaphore, #tpu.memory_space<semaphore_mem>>)
      %dma_wait3A = arith.constant 0 : i32
      %dma_wait3A_48 = arith.constant 0 : i32
      %dma_wait3A_49 = tpu.memref_slice %arg2[%dma_wait3A, %dma_wait3A_48] : memref<10240x128xf32, #tpu.memory_space<hbm>> -> memref<10240x128xf32, #tpu.memory_space<hbm>>
      tpu.wait_indirect_dma semaphore(%arg12 : memref<!tpu.dma_semaphore, #tpu.memory_space<semaphore_mem>>) src(%dma_wait3A_49 : memref<10240x128xf32, #tpu.memory_space<hbm>>) dst(%arg10 : memref<128x128xf32, #tpu.memory_space<vmem>>)
      %add3A_50 = arith.constant 0 : i32
      %add3A_51 = arith.addi %add3A_50, %add3A_45 : i32
      "tpu.region"() ({
        %run_scoped3A = tpu.sem_alloc : memref<!tpu.dma_semaphore, #tpu.memory_space<semaphore_mem>>
        %dma_start3A_60 = arith.constant 0 : i32
        %dma_start3A_61 = tpu.memref_slice %arg3[%add3A_51, %dma_start3A_60] : memref<970752x128xf32, #tpu.memory_space<hbm>> -> memref<128x128xf32, #tpu.memory_space<hbm>>
        %dma_start3A_62 = arith.constant 0 : i32
        %dma_start3A_63 = tpu.memref_slice %arg3[%add3A_51, %dma_start3A_62] : memref<970752x128xf32, #tpu.memory_space<hbm>> -> memref<128x128xf32, #tpu.memory_space<hbm>>
        tpu.enqueue_dma source(%dma_start3A_63 : memref<128x128xf32, #tpu.memory_space<hbm>>) target(%arg11 : memref<128x128xf32, #tpu.memory_space<vmem>>) target_semaphore(%run_scoped3A : memref<!tpu.dma_semaphore, #tpu.memory_space<semaphore_mem>>)
        %dma_wait3A_64 = arith.constant 0 : i32
        %dma_wait3A_65 = tpu.memref_slice %arg3[%add3A_51, %dma_wait3A_64] : memref<970752x128xf32, #tpu.memory_space<hbm>> -> memref<128x128xf32, #tpu.memory_space<hbm>>
        %dma_wait3A_66 = arith.constant 0 : i32
        %dma_wait3A_67 = tpu.memref_slice %arg3[%add3A_51, %dma_wait3A_66] : memref<970752x128xf32, #tpu.memory_space<hbm>> -> memref<128x128xf32, #tpu.memory_space<hbm>>
        tpu.wait_dma2 semaphore(%run_scoped3A : memref<!tpu.dma_semaphore, #tpu.memory_space<semaphore_mem>>) src(%dma_wait3A_67 : memref<128x128xf32, #tpu.memory_space<hbm>>) dst(%arg11 : memref<128x128xf32, #tpu.memory_space<vmem>>)
        tpu.yield
      }) : () -> ()
      %scan3A_52 = arith.constant 0 : i32
      %scan3A_53 = arith.constant 0 : i32
      %scan3A_54 = arith.constant 1024 : i32
      %scan3A_55 = arith.addi %scan3A_53, %scan3A_54 : i32
      %scan3A_56 = arith.constant 1 : i32
      %scan3A_57 = scf.for %scan3A_60 = %scan3A_53 to %scan3A_55 step %scan3A_56 iter_args(%scan3A_61 = %scan3A_52) -> (i32)  : i32 {
        %jit3A = arith.constant 8 : i32
        %div3A = arith.divsi %scan3A_60, %jit3A : i32
        %sign3A = arith.constant 0 : i32
        %sign3A_62 = arith.cmpi sgt, %scan3A_60, %sign3A : i32
        %sign3A_63 = arith.extui %sign3A_62 : i1 to i32
        %sign3A_64 = arith.constant 0 : i32
        %sign3A_65 = arith.cmpi slt, %scan3A_60, %sign3A_64 : i32
        %sign3A_66 = arith.extui %sign3A_65 : i1 to i32
        %sign3A_67 = arith.subi %sign3A_63, %sign3A_66 : i32
        %sign3A_68 = arith.constant 0 : i32
        %sign3A_69 = arith.cmpi sgt, %jit3A, %sign3A_68 : i32
        %sign3A_70 = arith.extui %sign3A_69 : i1 to i32
        %sign3A_71 = arith.constant 0 : i32
        %sign3A_72 = arith.cmpi slt, %jit3A, %sign3A_71 : i32
        %sign3A_73 = arith.extui %sign3A_72 : i1 to i32
        %sign3A_74 = arith.subi %sign3A_70, %sign3A_73 : i32
        %ne3A = arith.cmpi ne, %sign3A_67, %sign3A_74 : i32
        %rem3A = arith.remsi %scan3A_60, %jit3A : i32
        %ne3A_75 = arith.constant 0 : i32
        %ne3A_76 = arith.cmpi ne, %rem3A, %ne3A_75 : i32
        %and3A = arith.andi %ne3A, %ne3A_76 : i1
        %sub3A = arith.constant 1 : i32
        %sub3A_77 = arith.subi %div3A, %sub3A : i32
        %select_n3A = arith.select %and3A, %sub3A_77, %div3A : i32
        %jit3A_78 = arith.constant 8 : i32
        %eq3A = arith.constant 0 : i32
        %eq3A_79 = arith.cmpi eq, %jit3A_78, %eq3A : i32
        %jit3A_80 = arith.constant 1 : i32
        %select_n3A_81 = arith.select %eq3A_79, %jit3A_80, %jit3A_78 : i32
        %rem3A_82 = arith.remsi %scan3A_60, %select_n3A_81 : i32
        %ne3A_83 = arith.constant 0 : i32
        %ne3A_84 = arith.cmpi ne, %rem3A_82, %ne3A_83 : i32
        %lt3A = arith.constant 0 : i32
        %lt3A_85 = arith.cmpi slt, %rem3A_82, %lt3A : i32
        %lt3A_86 = arith.constant 0 : i32
        %lt3A_87 = arith.cmpi slt, %select_n3A_81, %lt3A_86 : i32
        %ne3A_88 = arith.xori %lt3A_85, %lt3A_87 : i1
        %and3A_89 = arith.andi %ne3A_88, %ne3A_84 : i1
        %add3A_90 = arith.addi %rem3A_82, %select_n3A_81 : i32
        %select_n3A_91 = arith.select %and3A_89, %add3A_90, %rem3A_82 : i32
        %mul3A_92 = arith.constant 16 : i32
        %mul3A_93 = arith.muli %select_n3A_91, %mul3A_92 : i32
        %get3A = arith.index_cast %select_n3A : i32 to index
        %get3A_94 = arith.index_cast %mul3A_93 : i32 to index
        %get3A_95 = tpu.vector_load %arg10[%get3A, %get3A_94] {strides = array<i32>} : memref<128x128xf32, #tpu.memory_space<vmem>>, vector<1x16xf32>,
        %get3A_96 = vector.shape_cast %get3A_95 : vector<1x16xf32> to vector<16xf32>
        %get3A_97 = arith.index_cast %select_n3A : i32 to index
        %get3A_98 = arith.index_cast %mul3A_93 : i32 to index
        %get3A_99 = tpu.vector_load %arg11[%get3A_97, %get3A_98] {strides = array<i32>} : memref<128x128xf32, #tpu.memory_space<vmem>>, vector<1x16xf32>,
        %get3A_100 = vector.shape_cast %get3A_99 : vector<1x16xf32> to vector<16xf32>
        %add3A_101 = arith.addf %get3A_96, %get3A_100 : vector<16xf32>
        %max3A = arith.constant 0.000000e+00 : f32
        %max3A_102 = vector.broadcast %max3A : f32 to vector<16xf32>
        %max3A_103 = arith.maximumf %add3A_101, %max3A_102 : vector<16xf32>
        %swap3A = arith.index_cast %select_n3A : i32 to index
        %swap3A_104 = arith.index_cast %mul3A_93 : i32 to index
        %swap3A_105 = tpu.vector_load %arg11[%swap3A, %swap3A_104] {strides = array<i32>} : memref<128x128xf32, #tpu.memory_space<vmem>>, vector<1x16xf32>,
        %swap3A_106 = vector.shape_cast %swap3A_105 : vector<1x16xf32> to vector<16xf32>
        %swap3A_107 = vector.shape_cast %max3A_103 : vector<16xf32> to vector<1x16xf32>
        tpu.vector_store %arg11[%swap3A, %swap3A_104], %swap3A_107 {strides = array<i32>} : memref<128x128xf32, #tpu.memory_space<vmem>>, vector<1x16xf32>,
        %scan3A_108 = arith.constant 0 : i32
        scf.yield %scan3A_108 : i32
      }
      %scan3A_58 = arith.constant 1024 : i32
      "tpu.region"() ({
        %run_scoped3A = tpu.sem_alloc : memref<!tpu.dma_semaphore, #tpu.memory_space<semaphore_mem>>
        %dma_start3A_60 = arith.constant 0 : i32
        %dma_start3A_61 = arith.constant 0 : i32
        %dma_start3A_62 = tpu.memref_slice %arg7[%dma_start3A_60, %dma_start3A_61] : memref<10240x128xf32, #tpu.memory_space<vmem_shared>> -> memref<10240x128xf32, #tpu.memory_space<vmem_shared>>
        tpu.enqueue_indirect_dma source(%arg11 : memref<128x128xf32, #tpu.memory_space<vmem>>) target(%dma_start3A_62 : memref<10240x128xf32, #tpu.memory_space<vmem_shared>>) offsets(%arg9 : memref<128xi32, #tpu.memory_space<vmem>>) semaphore(%run_scoped3A : memref<!tpu.dma_semaphore, #tpu.memory_space<semaphore_mem>>) {add = true}
        %dma_wait3A_63 = arith.constant 0 : i32
        %dma_wait3A_64 = arith.constant 0 : i32
        %dma_wait3A_65 = tpu.memref_slice %arg7[%dma_wait3A_63, %dma_wait3A_64] : memref<10240x128xf32, #tpu.memory_space<vmem_shared>> -> memref<10240x128xf32, #tpu.memory_space<vmem_shared>>
        tpu.wait_indirect_dma semaphore(%run_scoped3A : memref<!tpu.dma_semaphore, #tpu.memory_space<semaphore_mem>>) src(%arg11 : memref<128x128xf32, #tpu.memory_space<vmem>>) dst(%dma_wait3A_65 : memref<10240x128xf32, #tpu.memory_space<vmem_shared>>)
        tpu.yield
      }) : () -> ()
      %scan3A_59 = arith.constant 0 : i32
      scf.yield %scan3A_59 : i32
    }
    %scan3A_33 = arith.constant 79 : i32
    %barrier3A_34 = arith.constant 0 : index
    tpu.barrier barrier_id(%barrier3A_34)
    %mul3A_35 = arith.constant 640 : i32
    %mul3A_36 = arith.muli %arg1, %mul3A_35 : i32
    %mul3A_37 = arith.constant 640 : i32
    %mul3A_38 = arith.muli %arg1, %mul3A_37 : i32
    "tpu.region"() ({
      %run_scoped3A = tpu.sem_alloc : memref<!tpu.dma_semaphore, #tpu.memory_space<semaphore_mem>>
      %dma_start3A = arith.constant 0 : i32
      %dma_start3A_39 = tpu.memref_slice %arg6[%arg0, %mul3A_38, %dma_start3A] : memref<2x10240x128xf32, #tpu.memory_space<hbm>> -> memref<1x640x128xf32, #tpu.memory_space<hbm>>
      %dma_start3A_40 = tpu.memref_squeeze %dma_start3A_39 : memref<1x640x128xf32, #tpu.memory_space<hbm>> -> memref<640x128xf32, #tpu.memory_space<hbm>>
      %dma_start3A_41 = arith.constant 0 : i32
      %dma_start3A_42 = tpu.memref_slice %arg7[%mul3A_36, %dma_start3A_41] : memref<10240x128xf32, #tpu.memory_space<vmem_shared>> -> memref<640x128xf32, #tpu.memory_space<vmem_shared>>
      tpu.enqueue_dma source(%dma_start3A_42 : memref<640x128xf32, #tpu.memory_space<vmem_shared>>) target(%dma_start3A_40 : memref<640x128xf32, #tpu.memory_space<hbm>>) target_semaphore(%run_scoped3A : memref<!tpu.dma_semaphore, #tpu.memory_space<semaphore_mem>>)
      %dma_wait3A = arith.constant 0 : i32
      %dma_wait3A_43 = tpu.memref_slice %arg6[%arg0, %mul3A_38, %dma_wait3A] : memref<2x10240x128xf32, #tpu.memory_space<hbm>> -> memref<1x640x128xf32, #tpu.memory_space<hbm>>
      %dma_wait3A_44 = tpu.memref_squeeze %dma_wait3A_43 : memref<1x640x128xf32, #tpu.memory_space<hbm>> -> memref<640x128xf32, #tpu.memory_space<hbm>>
      %dma_wait3A_45 = arith.constant 0 : i32
      %dma_wait3A_46 = tpu.memref_slice %arg7[%mul3A_36, %dma_wait3A_45] : memref<10240x128xf32, #tpu.memory_space<vmem_shared>> -> memref<640x128xf32, #tpu.memory_space<vmem_shared>>
      tpu.wait_dma2 semaphore(%run_scoped3A : memref<!tpu.dma_semaphore, #tpu.memory_space<semaphore_mem>>) src(%dma_wait3A_46 : memref<640x128xf32, #tpu.memory_space<vmem_shared>>) dst(%dma_wait3A_44 : memref<640x128xf32, #tpu.memory_space<hbm>>)
      tpu.yield
    }) : () -> ()
    return
  }
}

#map = affine_map<(d0, d1) -> (0, 0)>
#map1 = affine_map<(d0, d1) -> (0)>
#map2 = affine_map<(d0, d1) -> (0, 0, 0)>
module attributes {stable_mosaic.version = 14 : i64} {
  func.func @_sc_scatter_body(%arg0: i32, %arg1: i32, %arg2: memref<10240x128xf32, #tpu.memory_space<hbm>>, %arg3: memref<970752x128xf32, #tpu.memory_space<hbm>>, %arg4: memref<323584xi32, #tpu.memory_space<hbm>>, %arg5: memref<323584xi32, #tpu.memory_space<hbm>>, %arg6: memref<2x10240x128xf32, #tpu.memory_space<hbm>>, %arg7: memref<10240x128xf32, #tpu.memory_space<vmem_shared>>, %arg8: memref<128xi32, #tpu.memory_space<vmem>>, %arg9: memref<128xi32, #tpu.memory_space<vmem>>, %arg10: memref<128x128xf32, #tpu.memory_space<vmem>>, %arg11: memref<128x128xf32, #tpu.memory_space<vmem>>, %arg12: memref<!tpu.dma_semaphore, #tpu.memory_space<semaphore_mem>>) attributes {dimension_semantics = [#tpu.dimension_semantics<core_parallel>, #tpu.dimension_semantics<subcore_parallel>], iteration_bounds = array<i64: 2, 16>, scalar_prefetch = 0 : i64, scratch_operands = 6 : i64, tpu.core_type = #tpu.core_type<sc_vector_subcore>, window_params = [{transform_indices = #map}, {transform_indices = #map}, {transform_indices = #map1}, {transform_indices = #map1}, {transform_indices = #map2}]} {
    %mul3A = arith.constant 2 : i32
    %mul3A_0 = arith.muli %arg1, %mul3A : i32
    %add3A = arith.addi %mul3A_0, %arg0 : i32
    %scan3A = arith.constant 0 : i32
    %scan3A_1 = arith.constant 0 : i32
    %scan3A_2 = arith.constant 1024 : i32
    %scan3A_3 = arith.addi %scan3A_1, %scan3A_2 : i32
    %scan3A_4 = arith.constant 1 : i32
    %scan3A_5 = scf.for %scan3A_39 = %scan3A_1 to %scan3A_3 step %scan3A_4 iter_args(%scan3A_40 = %scan3A) -> (i32)  : i32 {
      %broadcast_in_dim3A = arith.constant 0.000000e+00 : f32
      %broadcast_in_dim3A_41 = vector.broadcast %broadcast_in_dim3A : f32 to vector<16xf32>
      %jit3A = arith.constant 8 : i32
      %div3A = arith.divsi %scan3A_39, %jit3A : i32
      %sign3A = arith.constant 0 : i32
      %sign3A_42 = arith.cmpi sgt, %scan3A_39, %sign3A : i32
      %sign3A_43 = arith.extui %sign3A_42 : i1 to i32
      %sign3A_44 = arith.constant 0 : i32
      %sign3A_45 = arith.cmpi slt, %scan3A_39, %sign3A_44 : i32
      %sign3A_46 = arith.extui %sign3A_45 : i1 to i32
      %sign3A_47 = arith.subi %sign3A_43, %sign3A_46 : i32
      %sign3A_48 = arith.constant 0 : i32
      %sign3A_49 = arith.cmpi sgt, %jit3A, %sign3A_48 : i32
      %sign3A_50 = arith.extui %sign3A_49 : i1 to i32
      %sign3A_51 = arith.constant 0 : i32
      %sign3A_52 = arith.cmpi slt, %jit3A, %sign3A_51 : i32
      %sign3A_53 = arith.extui %sign3A_52 : i1 to i32
      %sign3A_54 = arith.subi %sign3A_50, %sign3A_53 : i32
      %ne3A = arith.cmpi ne, %sign3A_47, %sign3A_54 : i32
      %rem3A = arith.remsi %scan3A_39, %jit3A : i32
      %ne3A_55 = arith.constant 0 : i32
      %ne3A_56 = arith.cmpi ne, %rem3A, %ne3A_55 : i32
      %and3A = arith.andi %ne3A, %ne3A_56 : i1
      %sub3A = arith.constant 1 : i32
      %sub3A_57 = arith.subi %div3A, %sub3A : i32
      %select_n3A = arith.select %and3A, %sub3A_57, %div3A : i32
      %jit3A_58 = arith.constant 8 : i32
      %eq3A = arith.constant 0 : i32
      %eq3A_59 = arith.cmpi eq, %jit3A_58, %eq3A : i32
      %jit3A_60 = arith.constant 1 : i32
      %select_n3A_61 = arith.select %eq3A_59, %jit3A_60, %jit3A_58 : i32
      %rem3A_62 = arith.remsi %scan3A_39, %select_n3A_61 : i32
      %ne3A_63 = arith.constant 0 : i32
      %ne3A_64 = arith.cmpi ne, %rem3A_62, %ne3A_63 : i32
      %lt3A = arith.constant 0 : i32
      %lt3A_65 = arith.cmpi slt, %rem3A_62, %lt3A : i32
      %lt3A_66 = arith.constant 0 : i32
      %lt3A_67 = arith.cmpi slt, %select_n3A_61, %lt3A_66 : i32
      %ne3A_68 = arith.xori %lt3A_65, %lt3A_67 : i1
      %and3A_69 = arith.andi %ne3A_68, %ne3A_64 : i1
      %add3A_70 = arith.addi %rem3A_62, %select_n3A_61 : i32
      %select_n3A_71 = arith.select %and3A_69, %add3A_70, %rem3A_62 : i32
      %mul3A_72 = arith.constant 16 : i32
      %mul3A_73 = arith.muli %select_n3A_71, %mul3A_72 : i32
      %swap3A = arith.index_cast %select_n3A : i32 to index
      %swap3A_74 = arith.index_cast %mul3A_73 : i32 to index
      %swap3A_75 = tpu.vector_load %arg10[%swap3A, %swap3A_74] {strides = array<i32>} : memref<128x128xf32, #tpu.memory_space<vmem>>, vector<1x16xf32>,
      %swap3A_76 = vector.shape_cast %swap3A_75 : vector<1x16xf32> to vector<16xf32>
      %swap3A_77 = vector.shape_cast %broadcast_in_dim3A_41 : vector<16xf32> to vector<1x16xf32>
      tpu.vector_store %arg10[%swap3A, %swap3A_74], %swap3A_77 {strides = array<i32>} : memref<128x128xf32, #tpu.memory_space<vmem>>, vector<1x16xf32>,
      %scan3A_78 = arith.constant 0 : i32
      scf.yield %scan3A_78 : i32
    }
    %scan3A_6 = arith.constant 1024 : i32
    %mul3A_7 = arith.constant 640 : i32
    %mul3A_8 = arith.muli %arg1, %mul3A_7 : i32
    %add3A_9 = arith.constant 0 : i32
    %add3A_10 = arith.addi %mul3A_8, %add3A_9 : i32
    "tpu.region"() ({
      %run_scoped3A = tpu.sem_alloc : memref<!tpu.dma_semaphore, #tpu.memory_space<semaphore_mem>>
      %dma_start3A = arith.constant 0 : i32
      %dma_start3A_39 = tpu.memref_slice %arg7[%add3A_10, %dma_start3A] : memref<10240x128xf32, #tpu.memory_space<vmem_shared>> -> memref<128x128xf32, #tpu.memory_space<vmem_shared>>
      %dma_start3A_40 = arith.constant 0 : i32
      %dma_start3A_41 = tpu.memref_slice %arg7[%add3A_10, %dma_start3A_40] : memref<10240x128xf32, #tpu.memory_space<vmem_shared>> -> memref<128x128xf32, #tpu.memory_space<vmem_shared>>
      tpu.enqueue_dma source(%arg10 : memref<128x128xf32, #tpu.memory_space<vmem>>) target(%dma_start3A_41 : memref<128x128xf32, #tpu.memory_space<vmem_shared>>) target_semaphore(%run_scoped3A : memref<!tpu.dma_semaphore, #tpu.memory_space<semaphore_mem>>)
      %dma_wait3A = arith.constant 0 : i32
      %dma_wait3A_42 = tpu.memref_slice %arg7[%add3A_10, %dma_wait3A] : memref<10240x128xf32, #tpu.memory_space<vmem_shared>> -> memref<128x128xf32, #tpu.memory_space<vmem_shared>>
      %dma_wait3A_43 = arith.constant 0 : i32
      %dma_wait3A_44 = tpu.memref_slice %arg7[%add3A_10, %dma_wait3A_43] : memref<10240x128xf32, #tpu.memory_space<vmem_shared>> -> memref<128x128xf32, #tpu.memory_space<vmem_shared>>
      tpu.wait_dma2 semaphore(%run_scoped3A : memref<!tpu.dma_semaphore, #tpu.memory_space<semaphore_mem>>) src(%arg10 : memref<128x128xf32, #tpu.memory_space<vmem>>) dst(%dma_wait3A_44 : memref<128x128xf32, #tpu.memory_space<vmem_shared>>)
      tpu.yield
    }) : () -> ()
    %mul3A_11 = arith.constant 640 : i32
    %mul3A_12 = arith.muli %arg1, %mul3A_11 : i32
    %add3A_13 = arith.constant 128 : i32
    %add3A_14 = arith.addi %mul3A_12, %add3A_13 : i32
    "tpu.region"() ({
      %run_scoped3A = tpu.sem_alloc : memref<!tpu.dma_semaphore, #tpu.memory_space<semaphore_mem>>
      %dma_start3A = arith.constant 0 : i32
      %dma_start3A_39 = tpu.memref_slice %arg7[%add3A_14, %dma_start3A] : memref<10240x128xf32, #tpu.memory_space<vmem_shared>> -> memref<128x128xf32, #tpu.memory_space<vmem_shared>>
      %dma_start3A_40 = arith.constant 0 : i32
      %dma_start3A_41 = tpu.memref_slice %arg7[%add3A_14, %dma_start3A_40] : memref<10240x128xf32, #tpu.memory_space<vmem_shared>> -> memref<128x128xf32, #tpu.memory_space<vmem_shared>>
      tpu.enqueue_dma source(%arg10 : memref<128x128xf32, #tpu.memory_space<vmem>>) target(%dma_start3A_41 : memref<128x128xf32, #tpu.memory_space<vmem_shared>>) target_semaphore(%run_scoped3A : memref<!tpu.dma_semaphore, #tpu.memory_space<semaphore_mem>>)
      %dma_wait3A = arith.constant 0 : i32
      %dma_wait3A_42 = tpu.memref_slice %arg7[%add3A_14, %dma_wait3A] : memref<10240x128xf32, #tpu.memory_space<vmem_shared>> -> memref<128x128xf32, #tpu.memory_space<vmem_shared>>
      %dma_wait3A_43 = arith.constant 0 : i32
      %dma_wait3A_44 = tpu.memref_slice %arg7[%add3A_14, %dma_wait3A_43] : memref<10240x128xf32, #tpu.memory_space<vmem_shared>> -> memref<128x128xf32, #tpu.memory_space<vmem_shared>>
      tpu.wait_dma2 semaphore(%run_scoped3A : memref<!tpu.dma_semaphore, #tpu.memory_space<semaphore_mem>>) src(%arg10 : memref<128x128xf32, #tpu.memory_space<vmem>>) dst(%dma_wait3A_44 : memref<128x128xf32, #tpu.memory_space<vmem_shared>>)
      tpu.yield
    }) : () -> ()
    %mul3A_15 = arith.constant 640 : i32
    %mul3A_16 = arith.muli %arg1, %mul3A_15 : i32
    %add3A_17 = arith.constant 256 : i32
    %add3A_18 = arith.addi %mul3A_16, %add3A_17 : i32
    "tpu.region"() ({
      %run_scoped3A = tpu.sem_alloc : memref<!tpu.dma_semaphore, #tpu.memory_space<semaphore_mem>>
      %dma_start3A = arith.constant 0 : i32
      %dma_start3A_39 = tpu.memref_slice %arg7[%add3A_18, %dma_start3A] : memref<10240x128xf32, #tpu.memory_space<vmem_shared>> -> memref<128x128xf32, #tpu.memory_space<vmem_shared>>
      %dma_start3A_40 = arith.constant 0 : i32
      %dma_start3A_41 = tpu.memref_slice %arg7[%add3A_18, %dma_start3A_40] : memref<10240x128xf32, #tpu.memory_space<vmem_shared>> -> memref<128x128xf32, #tpu.memory_space<vmem_shared>>
      tpu.enqueue_dma source(%arg10 : memref<128x128xf32, #tpu.memory_space<vmem>>) target(%dma_start3A_41 : memref<128x128xf32, #tpu.memory_space<vmem_shared>>) target_semaphore(%run_scoped3A : memref<!tpu.dma_semaphore, #tpu.memory_space<semaphore_mem>>)
      %dma_wait3A = arith.constant 0 : i32
      %dma_wait3A_42 = tpu.memref_slice %arg7[%add3A_18, %dma_wait3A] : memref<10240x128xf32, #tpu.memory_space<vmem_shared>> -> memref<128x128xf32, #tpu.memory_space<vmem_shared>>
      %dma_wait3A_43 = arith.constant 0 : i32
      %dma_wait3A_44 = tpu.memref_slice %arg7[%add3A_18, %dma_wait3A_43] : memref<10240x128xf32, #tpu.memory_space<vmem_shared>> -> memref<128x128xf32, #tpu.memory_space<vmem_shared>>
      tpu.wait_dma2 semaphore(%run_scoped3A : memref<!tpu.dma_semaphore, #tpu.memory_space<semaphore_mem>>) src(%arg10 : memref<128x128xf32, #tpu.memory_space<vmem>>) dst(%dma_wait3A_44 : memref<128x128xf32, #tpu.memory_space<vmem_shared>>)
      tpu.yield
    }) : () -> ()
    %mul3A_19 = arith.constant 640 : i32
    %mul3A_20 = arith.muli %arg1, %mul3A_19 : i32
    %add3A_21 = arith.constant 384 : i32
    %add3A_22 = arith.addi %mul3A_20, %add3A_21 : i32
    "tpu.region"() ({
      %run_scoped3A = tpu.sem_alloc : memref<!tpu.dma_semaphore, #tpu.memory_space<semaphore_mem>>
      %dma_start3A = arith.constant 0 : i32
      %dma_start3A_39 = tpu.memref_slice %arg7[%add3A_22, %dma_start3A] : memref<10240x128xf32, #tpu.memory_space<vmem_shared>> -> memref<128x128xf32, #tpu.memory_space<vmem_shared>>
      %dma_start3A_40 = arith.constant 0 : i32
      %dma_start3A_41 = tpu.memref_slice %arg7[%add3A_22, %dma_start3A_40] : memref<10240x128xf32, #tpu.memory_space<vmem_shared>> -> memref<128x128xf32, #tpu.memory_space<vmem_shared>>
      tpu.enqueue_dma source(%arg10 : memref<128x128xf32, #tpu.memory_space<vmem>>) target(%dma_start3A_41 : memref<128x128xf32, #tpu.memory_space<vmem_shared>>) target_semaphore(%run_scoped3A : memref<!tpu.dma_semaphore, #tpu.memory_space<semaphore_mem>>)
      %dma_wait3A = arith.constant 0 : i32
      %dma_wait3A_42 = tpu.memref_slice %arg7[%add3A_22, %dma_wait3A] : memref<10240x128xf32, #tpu.memory_space<vmem_shared>> -> memref<128x128xf32, #tpu.memory_space<vmem_shared>>
      %dma_wait3A_43 = arith.constant 0 : i32
      %dma_wait3A_44 = tpu.memref_slice %arg7[%add3A_22, %dma_wait3A_43] : memref<10240x128xf32, #tpu.memory_space<vmem_shared>> -> memref<128x128xf32, #tpu.memory_space<vmem_shared>>
      tpu.wait_dma2 semaphore(%run_scoped3A : memref<!tpu.dma_semaphore, #tpu.memory_space<semaphore_mem>>) src(%arg10 : memref<128x128xf32, #tpu.memory_space<vmem>>) dst(%dma_wait3A_44 : memref<128x128xf32, #tpu.memory_space<vmem_shared>>)
      tpu.yield
    }) : () -> ()
    %mul3A_23 = arith.constant 640 : i32
    %mul3A_24 = arith.muli %arg1, %mul3A_23 : i32
    %add3A_25 = arith.constant 512 : i32
    %add3A_26 = arith.addi %mul3A_24, %add3A_25 : i32
    "tpu.region"() ({
      %run_scoped3A = tpu.sem_alloc : memref<!tpu.dma_semaphore, #tpu.memory_space<semaphore_mem>>
      %dma_start3A = arith.constant 0 : i32
      %dma_start3A_39 = tpu.memref_slice %arg7[%add3A_26, %dma_start3A] : memref<10240x128xf32, #tpu.memory_space<vmem_shared>> -> memref<128x128xf32, #tpu.memory_space<vmem_shared>>
      %dma_start3A_40 = arith.constant 0 : i32
      %dma_start3A_41 = tpu.memref_slice %arg7[%add3A_26, %dma_start3A_40] : memref<10240x128xf32, #tpu.memory_space<vmem_shared>> -> memref<128x128xf32, #tpu.memory_space<vmem_shared>>
      tpu.enqueue_dma source(%arg10 : memref<128x128xf32, #tpu.memory_space<vmem>>) target(%dma_start3A_41 : memref<128x128xf32, #tpu.memory_space<vmem_shared>>) target_semaphore(%run_scoped3A : memref<!tpu.dma_semaphore, #tpu.memory_space<semaphore_mem>>)
      %dma_wait3A = arith.constant 0 : i32
      %dma_wait3A_42 = tpu.memref_slice %arg7[%add3A_26, %dma_wait3A] : memref<10240x128xf32, #tpu.memory_space<vmem_shared>> -> memref<128x128xf32, #tpu.memory_space<vmem_shared>>
      %dma_wait3A_43 = arith.constant 0 : i32
      %dma_wait3A_44 = tpu.memref_slice %arg7[%add3A_26, %dma_wait3A_43] : memref<10240x128xf32, #tpu.memory_space<vmem_shared>> -> memref<128x128xf32, #tpu.memory_space<vmem_shared>>
      tpu.wait_dma2 semaphore(%run_scoped3A : memref<!tpu.dma_semaphore, #tpu.memory_space<semaphore_mem>>) src(%arg10 : memref<128x128xf32, #tpu.memory_space<vmem>>) dst(%dma_wait3A_44 : memref<128x128xf32, #tpu.memory_space<vmem_shared>>)
      tpu.yield
    }) : () -> ()
    %barrier3A = arith.constant 0 : index
    tpu.barrier barrier_id(%barrier3A)
    %scan3A_27 = arith.constant 0 : i32
    %scan3A_28 = arith.constant 0 : i32
    %scan3A_29 = arith.constant 79 : i32
    %scan3A_30 = arith.addi %scan3A_28, %scan3A_29 : i32
    %scan3A_31 = arith.constant 1 : i32
    %scan3A_32 = scf.for %scan3A_39 = %scan3A_28 to %scan3A_30 step %scan3A_31 iter_args(%scan3A_40 = %scan3A_27) -> (i32)  : i32 {
      %mul3A_41 = arith.constant 10112 : i32
      %mul3A_42 = arith.muli %add3A, %mul3A_41 : i32
      %mul3A_43 = arith.constant 128 : i32
      %mul3A_44 = arith.muli %scan3A_39, %mul3A_43 : i32
      %add3A_45 = arith.addi %mul3A_42, %mul3A_44 : i32
      "tpu.region"() ({
        %run_scoped3A = tpu.sem_alloc : memref<!tpu.dma_semaphore, #tpu.memory_space<semaphore_mem>>
        %dma_start3A_60 = tpu.memref_slice %arg4[%add3A_45] : memref<323584xi32, #tpu.memory_space<hbm>> -> memref<128xi32, #tpu.memory_space<hbm>>
        %dma_start3A_61 = tpu.memref_slice %arg4[%add3A_45] : memref<323584xi32, #tpu.memory_space<hbm>> -> memref<128xi32, #tpu.memory_space<hbm>>
        tpu.enqueue_dma source(%dma_start3A_61 : memref<128xi32, #tpu.memory_space<hbm>>) target(%arg8 : memref<128xi32, #tpu.memory_space<vmem>>) target_semaphore(%run_scoped3A : memref<!tpu.dma_semaphore, #tpu.memory_space<semaphore_mem>>)
        %dma_wait3A_62 = tpu.memref_slice %arg4[%add3A_45] : memref<323584xi32, #tpu.memory_space<hbm>> -> memref<128xi32, #tpu.memory_space<hbm>>
        %dma_wait3A_63 = tpu.memref_slice %arg4[%add3A_45] : memref<323584xi32, #tpu.memory_space<hbm>> -> memref<128xi32, #tpu.memory_space<hbm>>
        tpu.wait_dma2 semaphore(%run_scoped3A : memref<!tpu.dma_semaphore, #tpu.memory_space<semaphore_mem>>) src(%dma_wait3A_63 : memref<128xi32, #tpu.memory_space<hbm>>) dst(%arg8 : memref<128xi32, #tpu.memory_space<vmem>>)
        tpu.yield
      }) : () -> ()
      "tpu.region"() ({
        %run_scoped3A = tpu.sem_alloc : memref<!tpu.dma_semaphore, #tpu.memory_space<semaphore_mem>>
        %dma_start3A_60 = tpu.memref_slice %arg5[%add3A_45] : memref<323584xi32, #tpu.memory_space<hbm>> -> memref<128xi32, #tpu.memory_space<hbm>>
        %dma_start3A_61 = tpu.memref_slice %arg5[%add3A_45] : memref<323584xi32, #tpu.memory_space<hbm>> -> memref<128xi32, #tpu.memory_space<hbm>>
        tpu.enqueue_dma source(%dma_start3A_61 : memref<128xi32, #tpu.memory_space<hbm>>) target(%arg9 : memref<128xi32, #tpu.memory_space<vmem>>) target_semaphore(%run_scoped3A : memref<!tpu.dma_semaphore, #tpu.memory_space<semaphore_mem>>)
        %dma_wait3A_62 = tpu.memref_slice %arg5[%add3A_45] : memref<323584xi32, #tpu.memory_space<hbm>> -> memref<128xi32, #tpu.memory_space<hbm>>
        %dma_wait3A_63 = tpu.memref_slice %arg5[%add3A_45] : memref<323584xi32, #tpu.memory_space<hbm>> -> memref<128xi32, #tpu.memory_space<hbm>>
        tpu.wait_dma2 semaphore(%run_scoped3A : memref<!tpu.dma_semaphore, #tpu.memory_space<semaphore_mem>>) src(%dma_wait3A_63 : memref<128xi32, #tpu.memory_space<hbm>>) dst(%arg9 : memref<128xi32, #tpu.memory_space<vmem>>)
        tpu.yield
      }) : () -> ()
      %dma_start3A = arith.constant 0 : i32
      %dma_start3A_46 = arith.constant 0 : i32
      %dma_start3A_47 = tpu.memref_slice %arg2[%dma_start3A, %dma_start3A_46] : memref<10240x128xf32, #tpu.memory_space<hbm>> -> memref<10240x128xf32, #tpu.memory_space<hbm>>
      tpu.enqueue_indirect_dma source(%dma_start3A_47 : memref<10240x128xf32, #tpu.memory_space<hbm>>) target(%arg10 : memref<128x128xf32, #tpu.memory_space<vmem>>) offsets(%arg8 : memref<128xi32, #tpu.memory_space<vmem>>) semaphore(%arg12 : memref<!tpu.dma_semaphore, #tpu.memory_space<semaphore_mem>>)
      %dma_wait3A = arith.constant 0 : i32
      %dma_wait3A_48 = arith.constant 0 : i32
      %dma_wait3A_49 = tpu.memref_slice %arg2[%dma_wait3A, %dma_wait3A_48] : memref<10240x128xf32, #tpu.memory_space<hbm>> -> memref<10240x128xf32, #tpu.memory_space<hbm>>
      tpu.wait_indirect_dma semaphore(%arg12 : memref<!tpu.dma_semaphore, #tpu.memory_space<semaphore_mem>>) src(%dma_wait3A_49 : memref<10240x128xf32, #tpu.memory_space<hbm>>) dst(%arg10 : memref<128x128xf32, #tpu.memory_space<vmem>>)
      %add3A_50 = arith.constant 323584 : i32
      %add3A_51 = arith.addi %add3A_50, %add3A_45 : i32
      "tpu.region"() ({
        %run_scoped3A = tpu.sem_alloc : memref<!tpu.dma_semaphore, #tpu.memory_space<semaphore_mem>>
        %dma_start3A_60 = arith.constant 0 : i32
        %dma_start3A_61 = tpu.memref_slice %arg3[%add3A_51, %dma_start3A_60] : memref<970752x128xf32, #tpu.memory_space<hbm>> -> memref<128x128xf32, #tpu.memory_space<hbm>>
        %dma_start3A_62 = arith.constant 0 : i32
        %dma_start3A_63 = tpu.memref_slice %arg3[%add3A_51, %dma_start3A_62] : memref<970752x128xf32, #tpu.memory_space<hbm>> -> memref<128x128xf32, #tpu.memory_space<hbm>>
        tpu.enqueue_dma source(%dma_start3A_63 : memref<128x128xf32, #tpu.memory_space<hbm>>) target(%arg11 : memref<128x128xf32, #tpu.memory_space<vmem>>) target_semaphore(%run_scoped3A : memref<!tpu.dma_semaphore, #tpu.memory_space<semaphore_mem>>)
        %dma_wait3A_64 = arith.constant 0 : i32
        %dma_wait3A_65 = tpu.memref_slice %arg3[%add3A_51, %dma_wait3A_64] : memref<970752x128xf32, #tpu.memory_space<hbm>> -> memref<128x128xf32, #tpu.memory_space<hbm>>
        %dma_wait3A_66 = arith.constant 0 : i32
        %dma_wait3A_67 = tpu.memref_slice %arg3[%add3A_51, %dma_wait3A_66] : memref<970752x128xf32, #tpu.memory_space<hbm>> -> memref<128x128xf32, #tpu.memory_space<hbm>>
        tpu.wait_dma2 semaphore(%run_scoped3A : memref<!tpu.dma_semaphore, #tpu.memory_space<semaphore_mem>>) src(%dma_wait3A_67 : memref<128x128xf32, #tpu.memory_space<hbm>>) dst(%arg11 : memref<128x128xf32, #tpu.memory_space<vmem>>)
        tpu.yield
      }) : () -> ()
      %scan3A_52 = arith.constant 0 : i32
      %scan3A_53 = arith.constant 0 : i32
      %scan3A_54 = arith.constant 1024 : i32
      %scan3A_55 = arith.addi %scan3A_53, %scan3A_54 : i32
      %scan3A_56 = arith.constant 1 : i32
      %scan3A_57 = scf.for %scan3A_60 = %scan3A_53 to %scan3A_55 step %scan3A_56 iter_args(%scan3A_61 = %scan3A_52) -> (i32)  : i32 {
        %jit3A = arith.constant 8 : i32
        %div3A = arith.divsi %scan3A_60, %jit3A : i32
        %sign3A = arith.constant 0 : i32
        %sign3A_62 = arith.cmpi sgt, %scan3A_60, %sign3A : i32
        %sign3A_63 = arith.extui %sign3A_62 : i1 to i32
        %sign3A_64 = arith.constant 0 : i32
        %sign3A_65 = arith.cmpi slt, %scan3A_60, %sign3A_64 : i32
        %sign3A_66 = arith.extui %sign3A_65 : i1 to i32
        %sign3A_67 = arith.subi %sign3A_63, %sign3A_66 : i32
        %sign3A_68 = arith.constant 0 : i32
        %sign3A_69 = arith.cmpi sgt, %jit3A, %sign3A_68 : i32
        %sign3A_70 = arith.extui %sign3A_69 : i1 to i32
        %sign3A_71 = arith.constant 0 : i32
        %sign3A_72 = arith.cmpi slt, %jit3A, %sign3A_71 : i32
        %sign3A_73 = arith.extui %sign3A_72 : i1 to i32
        %sign3A_74 = arith.subi %sign3A_70, %sign3A_73 : i32
        %ne3A = arith.cmpi ne, %sign3A_67, %sign3A_74 : i32
        %rem3A = arith.remsi %scan3A_60, %jit3A : i32
        %ne3A_75 = arith.constant 0 : i32
        %ne3A_76 = arith.cmpi ne, %rem3A, %ne3A_75 : i32
        %and3A = arith.andi %ne3A, %ne3A_76 : i1
        %sub3A = arith.constant 1 : i32
        %sub3A_77 = arith.subi %div3A, %sub3A : i32
        %select_n3A = arith.select %and3A, %sub3A_77, %div3A : i32
        %jit3A_78 = arith.constant 8 : i32
        %eq3A = arith.constant 0 : i32
        %eq3A_79 = arith.cmpi eq, %jit3A_78, %eq3A : i32
        %jit3A_80 = arith.constant 1 : i32
        %select_n3A_81 = arith.select %eq3A_79, %jit3A_80, %jit3A_78 : i32
        %rem3A_82 = arith.remsi %scan3A_60, %select_n3A_81 : i32
        %ne3A_83 = arith.constant 0 : i32
        %ne3A_84 = arith.cmpi ne, %rem3A_82, %ne3A_83 : i32
        %lt3A = arith.constant 0 : i32
        %lt3A_85 = arith.cmpi slt, %rem3A_82, %lt3A : i32
        %lt3A_86 = arith.constant 0 : i32
        %lt3A_87 = arith.cmpi slt, %select_n3A_81, %lt3A_86 : i32
        %ne3A_88 = arith.xori %lt3A_85, %lt3A_87 : i1
        %and3A_89 = arith.andi %ne3A_88, %ne3A_84 : i1
        %add3A_90 = arith.addi %rem3A_82, %select_n3A_81 : i32
        %select_n3A_91 = arith.select %and3A_89, %add3A_90, %rem3A_82 : i32
        %mul3A_92 = arith.constant 16 : i32
        %mul3A_93 = arith.muli %select_n3A_91, %mul3A_92 : i32
        %get3A = arith.index_cast %select_n3A : i32 to index
        %get3A_94 = arith.index_cast %mul3A_93 : i32 to index
        %get3A_95 = tpu.vector_load %arg10[%get3A, %get3A_94] {strides = array<i32>} : memref<128x128xf32, #tpu.memory_space<vmem>>, vector<1x16xf32>,
        %get3A_96 = vector.shape_cast %get3A_95 : vector<1x16xf32> to vector<16xf32>
        %get3A_97 = arith.index_cast %select_n3A : i32 to index
        %get3A_98 = arith.index_cast %mul3A_93 : i32 to index
        %get3A_99 = tpu.vector_load %arg11[%get3A_97, %get3A_98] {strides = array<i32>} : memref<128x128xf32, #tpu.memory_space<vmem>>, vector<1x16xf32>,
        %get3A_100 = vector.shape_cast %get3A_99 : vector<1x16xf32> to vector<16xf32>
        %add3A_101 = arith.addf %get3A_96, %get3A_100 : vector<16xf32>
        %max3A = arith.constant 0.000000e+00 : f32
        %max3A_102 = vector.broadcast %max3A : f32 to vector<16xf32>
        %max3A_103 = arith.maximumf %add3A_101, %max3A_102 : vector<16xf32>
        %swap3A = arith.index_cast %select_n3A : i32 to index
        %swap3A_104 = arith.index_cast %mul3A_93 : i32 to index
        %swap3A_105 = tpu.vector_load %arg11[%swap3A, %swap3A_104] {strides = array<i32>} : memref<128x128xf32, #tpu.memory_space<vmem>>, vector<1x16xf32>,
        %swap3A_106 = vector.shape_cast %swap3A_105 : vector<1x16xf32> to vector<16xf32>
        %swap3A_107 = vector.shape_cast %max3A_103 : vector<16xf32> to vector<1x16xf32>
        tpu.vector_store %arg11[%swap3A, %swap3A_104], %swap3A_107 {strides = array<i32>} : memref<128x128xf32, #tpu.memory_space<vmem>>, vector<1x16xf32>,
        %scan3A_108 = arith.constant 0 : i32
        scf.yield %scan3A_108 : i32
      }
      %scan3A_58 = arith.constant 1024 : i32
      "tpu.region"() ({
        %run_scoped3A = tpu.sem_alloc : memref<!tpu.dma_semaphore, #tpu.memory_space<semaphore_mem>>
        %dma_start3A_60 = arith.constant 0 : i32
        %dma_start3A_61 = arith.constant 0 : i32
        %dma_start3A_62 = tpu.memref_slice %arg7[%dma_start3A_60, %dma_start3A_61] : memref<10240x128xf32, #tpu.memory_space<vmem_shared>> -> memref<10240x128xf32, #tpu.memory_space<vmem_shared>>
        tpu.enqueue_indirect_dma source(%arg11 : memref<128x128xf32, #tpu.memory_space<vmem>>) target(%dma_start3A_62 : memref<10240x128xf32, #tpu.memory_space<vmem_shared>>) offsets(%arg9 : memref<128xi32, #tpu.memory_space<vmem>>) semaphore(%run_scoped3A : memref<!tpu.dma_semaphore, #tpu.memory_space<semaphore_mem>>) {add = true}
        %dma_wait3A_63 = arith.constant 0 : i32
        %dma_wait3A_64 = arith.constant 0 : i32
        %dma_wait3A_65 = tpu.memref_slice %arg7[%dma_wait3A_63, %dma_wait3A_64] : memref<10240x128xf32, #tpu.memory_space<vmem_shared>> -> memref<10240x128xf32, #tpu.memory_space<vmem_shared>>
        tpu.wait_indirect_dma semaphore(%run_scoped3A : memref<!tpu.dma_semaphore, #tpu.memory_space<semaphore_mem>>) src(%arg11 : memref<128x128xf32, #tpu.memory_space<vmem>>) dst(%dma_wait3A_65 : memref<10240x128xf32, #tpu.memory_space<vmem_shared>>)
        tpu.yield
      }) : () -> ()
      %scan3A_59 = arith.constant 0 : i32
      scf.yield %scan3A_59 : i32
    }
    %scan3A_33 = arith.constant 79 : i32
    %barrier3A_34 = arith.constant 0 : index
    tpu.barrier barrier_id(%barrier3A_34)
    %mul3A_35 = arith.constant 640 : i32
    %mul3A_36 = arith.muli %arg1, %mul3A_35 : i32
    %mul3A_37 = arith.constant 640 : i32
    %mul3A_38 = arith.muli %arg1, %mul3A_37 : i32
    "tpu.region"() ({
      %run_scoped3A = tpu.sem_alloc : memref<!tpu.dma_semaphore, #tpu.memory_space<semaphore_mem>>
      %dma_start3A = arith.constant 0 : i32
      %dma_start3A_39 = tpu.memref_slice %arg6[%arg0, %mul3A_38, %dma_start3A] : memref<2x10240x128xf32, #tpu.memory_space<hbm>> -> memref<1x640x128xf32, #tpu.memory_space<hbm>>
      %dma_start3A_40 = tpu.memref_squeeze %dma_start3A_39 : memref<1x640x128xf32, #tpu.memory_space<hbm>> -> memref<640x128xf32, #tpu.memory_space<hbm>>
      %dma_start3A_41 = arith.constant 0 : i32
      %dma_start3A_42 = tpu.memref_slice %arg7[%mul3A_36, %dma_start3A_41] : memref<10240x128xf32, #tpu.memory_space<vmem_shared>> -> memref<640x128xf32, #tpu.memory_space<vmem_shared>>
      tpu.enqueue_dma source(%dma_start3A_42 : memref<640x128xf32, #tpu.memory_space<vmem_shared>>) target(%dma_start3A_40 : memref<640x128xf32, #tpu.memory_space<hbm>>) target_semaphore(%run_scoped3A : memref<!tpu.dma_semaphore, #tpu.memory_space<semaphore_mem>>)
      %dma_wait3A = arith.constant 0 : i32
      %dma_wait3A_43 = tpu.memref_slice %arg6[%arg0, %mul3A_38, %dma_wait3A] : memref<2x10240x128xf32, #tpu.memory_space<hbm>> -> memref<1x640x128xf32, #tpu.memory_space<hbm>>
      %dma_wait3A_44 = tpu.memref_squeeze %dma_wait3A_43 : memref<1x640x128xf32, #tpu.memory_space<hbm>> -> memref<640x128xf32, #tpu.memory_space<hbm>>
      %dma_wait3A_45 = arith.constant 0 : i32
      %dma_wait3A_46 = tpu.memref_slice %arg7[%mul3A_36, %dma_wait3A_45] : memref<10240x128xf32, #tpu.memory_space<vmem_shared>> -> memref<640x128xf32, #tpu.memory_space<vmem_shared>>
      tpu.wait_dma2 semaphore(%run_scoped3A : memref<!tpu.dma_semaphore, #tpu.memory_space<semaphore_mem>>) src(%dma_wait3A_46 : memref<640x128xf32, #tpu.memory_space<vmem_shared>>) dst(%dma_wait3A_44 : memref<640x128xf32, #tpu.memory_space<hbm>>)
      tpu.yield
    }) : () -> ()
    return
  }
}

#map = affine_map<(d0, d1) -> (0, 0)>
#map1 = affine_map<(d0, d1) -> (0)>
#map2 = affine_map<(d0, d1) -> (0, 0, 0)>
module attributes {stable_mosaic.version = 14 : i64} {
  func.func @_sc_scatter_body(%arg0: i32, %arg1: i32, %arg2: memref<10240x128xf32, #tpu.memory_space<hbm>>, %arg3: memref<970752x128xf32, #tpu.memory_space<hbm>>, %arg4: memref<323584xi32, #tpu.memory_space<hbm>>, %arg5: memref<323584xi32, #tpu.memory_space<hbm>>, %arg6: memref<2x10240x128xf32, #tpu.memory_space<hbm>>, %arg7: memref<10240x128xf32, #tpu.memory_space<vmem_shared>>, %arg8: memref<128xi32, #tpu.memory_space<vmem>>, %arg9: memref<128xi32, #tpu.memory_space<vmem>>, %arg10: memref<128x128xf32, #tpu.memory_space<vmem>>, %arg11: memref<128x128xf32, #tpu.memory_space<vmem>>, %arg12: memref<!tpu.dma_semaphore, #tpu.memory_space<semaphore_mem>>) attributes {dimension_semantics = [#tpu.dimension_semantics<core_parallel>, #tpu.dimension_semantics<subcore_parallel>], iteration_bounds = array<i64: 2, 16>, scalar_prefetch = 0 : i64, scratch_operands = 6 : i64, tpu.core_type = #tpu.core_type<sc_vector_subcore>, window_params = [{transform_indices = #map}, {transform_indices = #map}, {transform_indices = #map1}, {transform_indices = #map1}, {transform_indices = #map2}]} {
    %mul3A = arith.constant 2 : i32
    %mul3A_0 = arith.muli %arg1, %mul3A : i32
    %add3A = arith.addi %mul3A_0, %arg0 : i32
    %scan3A = arith.constant 0 : i32
    %scan3A_1 = arith.constant 0 : i32
    %scan3A_2 = arith.constant 1024 : i32
    %scan3A_3 = arith.addi %scan3A_1, %scan3A_2 : i32
    %scan3A_4 = arith.constant 1 : i32
    %scan3A_5 = scf.for %scan3A_39 = %scan3A_1 to %scan3A_3 step %scan3A_4 iter_args(%scan3A_40 = %scan3A) -> (i32)  : i32 {
      %broadcast_in_dim3A = arith.constant 0.000000e+00 : f32
      %broadcast_in_dim3A_41 = vector.broadcast %broadcast_in_dim3A : f32 to vector<16xf32>
      %jit3A = arith.constant 8 : i32
      %div3A = arith.divsi %scan3A_39, %jit3A : i32
      %sign3A = arith.constant 0 : i32
      %sign3A_42 = arith.cmpi sgt, %scan3A_39, %sign3A : i32
      %sign3A_43 = arith.extui %sign3A_42 : i1 to i32
      %sign3A_44 = arith.constant 0 : i32
      %sign3A_45 = arith.cmpi slt, %scan3A_39, %sign3A_44 : i32
      %sign3A_46 = arith.extui %sign3A_45 : i1 to i32
      %sign3A_47 = arith.subi %sign3A_43, %sign3A_46 : i32
      %sign3A_48 = arith.constant 0 : i32
      %sign3A_49 = arith.cmpi sgt, %jit3A, %sign3A_48 : i32
      %sign3A_50 = arith.extui %sign3A_49 : i1 to i32
      %sign3A_51 = arith.constant 0 : i32
      %sign3A_52 = arith.cmpi slt, %jit3A, %sign3A_51 : i32
      %sign3A_53 = arith.extui %sign3A_52 : i1 to i32
      %sign3A_54 = arith.subi %sign3A_50, %sign3A_53 : i32
      %ne3A = arith.cmpi ne, %sign3A_47, %sign3A_54 : i32
      %rem3A = arith.remsi %scan3A_39, %jit3A : i32
      %ne3A_55 = arith.constant 0 : i32
      %ne3A_56 = arith.cmpi ne, %rem3A, %ne3A_55 : i32
      %and3A = arith.andi %ne3A, %ne3A_56 : i1
      %sub3A = arith.constant 1 : i32
      %sub3A_57 = arith.subi %div3A, %sub3A : i32
      %select_n3A = arith.select %and3A, %sub3A_57, %div3A : i32
      %jit3A_58 = arith.constant 8 : i32
      %eq3A = arith.constant 0 : i32
      %eq3A_59 = arith.cmpi eq, %jit3A_58, %eq3A : i32
      %jit3A_60 = arith.constant 1 : i32
      %select_n3A_61 = arith.select %eq3A_59, %jit3A_60, %jit3A_58 : i32
      %rem3A_62 = arith.remsi %scan3A_39, %select_n3A_61 : i32
      %ne3A_63 = arith.constant 0 : i32
      %ne3A_64 = arith.cmpi ne, %rem3A_62, %ne3A_63 : i32
      %lt3A = arith.constant 0 : i32
      %lt3A_65 = arith.cmpi slt, %rem3A_62, %lt3A : i32
      %lt3A_66 = arith.constant 0 : i32
      %lt3A_67 = arith.cmpi slt, %select_n3A_61, %lt3A_66 : i32
      %ne3A_68 = arith.xori %lt3A_65, %lt3A_67 : i1
      %and3A_69 = arith.andi %ne3A_68, %ne3A_64 : i1
      %add3A_70 = arith.addi %rem3A_62, %select_n3A_61 : i32
      %select_n3A_71 = arith.select %and3A_69, %add3A_70, %rem3A_62 : i32
      %mul3A_72 = arith.constant 16 : i32
      %mul3A_73 = arith.muli %select_n3A_71, %mul3A_72 : i32
      %swap3A = arith.index_cast %select_n3A : i32 to index
      %swap3A_74 = arith.index_cast %mul3A_73 : i32 to index
      %swap3A_75 = tpu.vector_load %arg10[%swap3A, %swap3A_74] {strides = array<i32>} : memref<128x128xf32, #tpu.memory_space<vmem>>, vector<1x16xf32>,
      %swap3A_76 = vector.shape_cast %swap3A_75 : vector<1x16xf32> to vector<16xf32>
      %swap3A_77 = vector.shape_cast %broadcast_in_dim3A_41 : vector<16xf32> to vector<1x16xf32>
      tpu.vector_store %arg10[%swap3A, %swap3A_74], %swap3A_77 {strides = array<i32>} : memref<128x128xf32, #tpu.memory_space<vmem>>, vector<1x16xf32>,
      %scan3A_78 = arith.constant 0 : i32
      scf.yield %scan3A_78 : i32
    }
    %scan3A_6 = arith.constant 1024 : i32
    %mul3A_7 = arith.constant 640 : i32
    %mul3A_8 = arith.muli %arg1, %mul3A_7 : i32
    %add3A_9 = arith.constant 0 : i32
    %add3A_10 = arith.addi %mul3A_8, %add3A_9 : i32
    "tpu.region"() ({
      %run_scoped3A = tpu.sem_alloc : memref<!tpu.dma_semaphore, #tpu.memory_space<semaphore_mem>>
      %dma_start3A = arith.constant 0 : i32
      %dma_start3A_39 = tpu.memref_slice %arg7[%add3A_10, %dma_start3A] : memref<10240x128xf32, #tpu.memory_space<vmem_shared>> -> memref<128x128xf32, #tpu.memory_space<vmem_shared>>
      %dma_start3A_40 = arith.constant 0 : i32
      %dma_start3A_41 = tpu.memref_slice %arg7[%add3A_10, %dma_start3A_40] : memref<10240x128xf32, #tpu.memory_space<vmem_shared>> -> memref<128x128xf32, #tpu.memory_space<vmem_shared>>
      tpu.enqueue_dma source(%arg10 : memref<128x128xf32, #tpu.memory_space<vmem>>) target(%dma_start3A_41 : memref<128x128xf32, #tpu.memory_space<vmem_shared>>) target_semaphore(%run_scoped3A : memref<!tpu.dma_semaphore, #tpu.memory_space<semaphore_mem>>)
      %dma_wait3A = arith.constant 0 : i32
      %dma_wait3A_42 = tpu.memref_slice %arg7[%add3A_10, %dma_wait3A] : memref<10240x128xf32, #tpu.memory_space<vmem_shared>> -> memref<128x128xf32, #tpu.memory_space<vmem_shared>>
      %dma_wait3A_43 = arith.constant 0 : i32
      %dma_wait3A_44 = tpu.memref_slice %arg7[%add3A_10, %dma_wait3A_43] : memref<10240x128xf32, #tpu.memory_space<vmem_shared>> -> memref<128x128xf32, #tpu.memory_space<vmem_shared>>
      tpu.wait_dma2 semaphore(%run_scoped3A : memref<!tpu.dma_semaphore, #tpu.memory_space<semaphore_mem>>) src(%arg10 : memref<128x128xf32, #tpu.memory_space<vmem>>) dst(%dma_wait3A_44 : memref<128x128xf32, #tpu.memory_space<vmem_shared>>)
      tpu.yield
    }) : () -> ()
    %mul3A_11 = arith.constant 640 : i32
    %mul3A_12 = arith.muli %arg1, %mul3A_11 : i32
    %add3A_13 = arith.constant 128 : i32
    %add3A_14 = arith.addi %mul3A_12, %add3A_13 : i32
    "tpu.region"() ({
      %run_scoped3A = tpu.sem_alloc : memref<!tpu.dma_semaphore, #tpu.memory_space<semaphore_mem>>
      %dma_start3A = arith.constant 0 : i32
      %dma_start3A_39 = tpu.memref_slice %arg7[%add3A_14, %dma_start3A] : memref<10240x128xf32, #tpu.memory_space<vmem_shared>> -> memref<128x128xf32, #tpu.memory_space<vmem_shared>>
      %dma_start3A_40 = arith.constant 0 : i32
      %dma_start3A_41 = tpu.memref_slice %arg7[%add3A_14, %dma_start3A_40] : memref<10240x128xf32, #tpu.memory_space<vmem_shared>> -> memref<128x128xf32, #tpu.memory_space<vmem_shared>>
      tpu.enqueue_dma source(%arg10 : memref<128x128xf32, #tpu.memory_space<vmem>>) target(%dma_start3A_41 : memref<128x128xf32, #tpu.memory_space<vmem_shared>>) target_semaphore(%run_scoped3A : memref<!tpu.dma_semaphore, #tpu.memory_space<semaphore_mem>>)
      %dma_wait3A = arith.constant 0 : i32
      %dma_wait3A_42 = tpu.memref_slice %arg7[%add3A_14, %dma_wait3A] : memref<10240x128xf32, #tpu.memory_space<vmem_shared>> -> memref<128x128xf32, #tpu.memory_space<vmem_shared>>
      %dma_wait3A_43 = arith.constant 0 : i32
      %dma_wait3A_44 = tpu.memref_slice %arg7[%add3A_14, %dma_wait3A_43] : memref<10240x128xf32, #tpu.memory_space<vmem_shared>> -> memref<128x128xf32, #tpu.memory_space<vmem_shared>>
      tpu.wait_dma2 semaphore(%run_scoped3A : memref<!tpu.dma_semaphore, #tpu.memory_space<semaphore_mem>>) src(%arg10 : memref<128x128xf32, #tpu.memory_space<vmem>>) dst(%dma_wait3A_44 : memref<128x128xf32, #tpu.memory_space<vmem_shared>>)
      tpu.yield
    }) : () -> ()
    %mul3A_15 = arith.constant 640 : i32
    %mul3A_16 = arith.muli %arg1, %mul3A_15 : i32
    %add3A_17 = arith.constant 256 : i32
    %add3A_18 = arith.addi %mul3A_16, %add3A_17 : i32
    "tpu.region"() ({
      %run_scoped3A = tpu.sem_alloc : memref<!tpu.dma_semaphore, #tpu.memory_space<semaphore_mem>>
      %dma_start3A = arith.constant 0 : i32
      %dma_start3A_39 = tpu.memref_slice %arg7[%add3A_18, %dma_start3A] : memref<10240x128xf32, #tpu.memory_space<vmem_shared>> -> memref<128x128xf32, #tpu.memory_space<vmem_shared>>
      %dma_start3A_40 = arith.constant 0 : i32
      %dma_start3A_41 = tpu.memref_slice %arg7[%add3A_18, %dma_start3A_40] : memref<10240x128xf32, #tpu.memory_space<vmem_shared>> -> memref<128x128xf32, #tpu.memory_space<vmem_shared>>
      tpu.enqueue_dma source(%arg10 : memref<128x128xf32, #tpu.memory_space<vmem>>) target(%dma_start3A_41 : memref<128x128xf32, #tpu.memory_space<vmem_shared>>) target_semaphore(%run_scoped3A : memref<!tpu.dma_semaphore, #tpu.memory_space<semaphore_mem>>)
      %dma_wait3A = arith.constant 0 : i32
      %dma_wait3A_42 = tpu.memref_slice %arg7[%add3A_18, %dma_wait3A] : memref<10240x128xf32, #tpu.memory_space<vmem_shared>> -> memref<128x128xf32, #tpu.memory_space<vmem_shared>>
      %dma_wait3A_43 = arith.constant 0 : i32
      %dma_wait3A_44 = tpu.memref_slice %arg7[%add3A_18, %dma_wait3A_43] : memref<10240x128xf32, #tpu.memory_space<vmem_shared>> -> memref<128x128xf32, #tpu.memory_space<vmem_shared>>
      tpu.wait_dma2 semaphore(%run_scoped3A : memref<!tpu.dma_semaphore, #tpu.memory_space<semaphore_mem>>) src(%arg10 : memref<128x128xf32, #tpu.memory_space<vmem>>) dst(%dma_wait3A_44 : memref<128x128xf32, #tpu.memory_space<vmem_shared>>)
      tpu.yield
    }) : () -> ()
    %mul3A_19 = arith.constant 640 : i32
    %mul3A_20 = arith.muli %arg1, %mul3A_19 : i32
    %add3A_21 = arith.constant 384 : i32
    %add3A_22 = arith.addi %mul3A_20, %add3A_21 : i32
    "tpu.region"() ({
      %run_scoped3A = tpu.sem_alloc : memref<!tpu.dma_semaphore, #tpu.memory_space<semaphore_mem>>
      %dma_start3A = arith.constant 0 : i32
      %dma_start3A_39 = tpu.memref_slice %arg7[%add3A_22, %dma_start3A] : memref<10240x128xf32, #tpu.memory_space<vmem_shared>> -> memref<128x128xf32, #tpu.memory_space<vmem_shared>>
      %dma_start3A_40 = arith.constant 0 : i32
      %dma_start3A_41 = tpu.memref_slice %arg7[%add3A_22, %dma_start3A_40] : memref<10240x128xf32, #tpu.memory_space<vmem_shared>> -> memref<128x128xf32, #tpu.memory_space<vmem_shared>>
      tpu.enqueue_dma source(%arg10 : memref<128x128xf32, #tpu.memory_space<vmem>>) target(%dma_start3A_41 : memref<128x128xf32, #tpu.memory_space<vmem_shared>>) target_semaphore(%run_scoped3A : memref<!tpu.dma_semaphore, #tpu.memory_space<semaphore_mem>>)
      %dma_wait3A = arith.constant 0 : i32
      %dma_wait3A_42 = tpu.memref_slice %arg7[%add3A_22, %dma_wait3A] : memref<10240x128xf32, #tpu.memory_space<vmem_shared>> -> memref<128x128xf32, #tpu.memory_space<vmem_shared>>
      %dma_wait3A_43 = arith.constant 0 : i32
      %dma_wait3A_44 = tpu.memref_slice %arg7[%add3A_22, %dma_wait3A_43] : memref<10240x128xf32, #tpu.memory_space<vmem_shared>> -> memref<128x128xf32, #tpu.memory_space<vmem_shared>>
      tpu.wait_dma2 semaphore(%run_scoped3A : memref<!tpu.dma_semaphore, #tpu.memory_space<semaphore_mem>>) src(%arg10 : memref<128x128xf32, #tpu.memory_space<vmem>>) dst(%dma_wait3A_44 : memref<128x128xf32, #tpu.memory_space<vmem_shared>>)
      tpu.yield
    }) : () -> ()
    %mul3A_23 = arith.constant 640 : i32
    %mul3A_24 = arith.muli %arg1, %mul3A_23 : i32
    %add3A_25 = arith.constant 512 : i32
    %add3A_26 = arith.addi %mul3A_24, %add3A_25 : i32
    "tpu.region"() ({
      %run_scoped3A = tpu.sem_alloc : memref<!tpu.dma_semaphore, #tpu.memory_space<semaphore_mem>>
      %dma_start3A = arith.constant 0 : i32
      %dma_start3A_39 = tpu.memref_slice %arg7[%add3A_26, %dma_start3A] : memref<10240x128xf32, #tpu.memory_space<vmem_shared>> -> memref<128x128xf32, #tpu.memory_space<vmem_shared>>
      %dma_start3A_40 = arith.constant 0 : i32
      %dma_start3A_41 = tpu.memref_slice %arg7[%add3A_26, %dma_start3A_40] : memref<10240x128xf32, #tpu.memory_space<vmem_shared>> -> memref<128x128xf32, #tpu.memory_space<vmem_shared>>
      tpu.enqueue_dma source(%arg10 : memref<128x128xf32, #tpu.memory_space<vmem>>) target(%dma_start3A_41 : memref<128x128xf32, #tpu.memory_space<vmem_shared>>) target_semaphore(%run_scoped3A : memref<!tpu.dma_semaphore, #tpu.memory_space<semaphore_mem>>)
      %dma_wait3A = arith.constant 0 : i32
      %dma_wait3A_42 = tpu.memref_slice %arg7[%add3A_26, %dma_wait3A] : memref<10240x128xf32, #tpu.memory_space<vmem_shared>> -> memref<128x128xf32, #tpu.memory_space<vmem_shared>>
      %dma_wait3A_43 = arith.constant 0 : i32
      %dma_wait3A_44 = tpu.memref_slice %arg7[%add3A_26, %dma_wait3A_43] : memref<10240x128xf32, #tpu.memory_space<vmem_shared>> -> memref<128x128xf32, #tpu.memory_space<vmem_shared>>
      tpu.wait_dma2 semaphore(%run_scoped3A : memref<!tpu.dma_semaphore, #tpu.memory_space<semaphore_mem>>) src(%arg10 : memref<128x128xf32, #tpu.memory_space<vmem>>) dst(%dma_wait3A_44 : memref<128x128xf32, #tpu.memory_space<vmem_shared>>)
      tpu.yield
    }) : () -> ()
    %barrier3A = arith.constant 0 : index
    tpu.barrier barrier_id(%barrier3A)
    %scan3A_27 = arith.constant 0 : i32
    %scan3A_28 = arith.constant 0 : i32
    %scan3A_29 = arith.constant 79 : i32
    %scan3A_30 = arith.addi %scan3A_28, %scan3A_29 : i32
    %scan3A_31 = arith.constant 1 : i32
    %scan3A_32 = scf.for %scan3A_39 = %scan3A_28 to %scan3A_30 step %scan3A_31 iter_args(%scan3A_40 = %scan3A_27) -> (i32)  : i32 {
      %mul3A_41 = arith.constant 10112 : i32
      %mul3A_42 = arith.muli %add3A, %mul3A_41 : i32
      %mul3A_43 = arith.constant 128 : i32
      %mul3A_44 = arith.muli %scan3A_39, %mul3A_43 : i32
      %add3A_45 = arith.addi %mul3A_42, %mul3A_44 : i32
      "tpu.region"() ({
        %run_scoped3A = tpu.sem_alloc : memref<!tpu.dma_semaphore, #tpu.memory_space<semaphore_mem>>
        %dma_start3A_60 = tpu.memref_slice %arg4[%add3A_45] : memref<323584xi32, #tpu.memory_space<hbm>> -> memref<128xi32, #tpu.memory_space<hbm>>
        %dma_start3A_61 = tpu.memref_slice %arg4[%add3A_45] : memref<323584xi32, #tpu.memory_space<hbm>> -> memref<128xi32, #tpu.memory_space<hbm>>
        tpu.enqueue_dma source(%dma_start3A_61 : memref<128xi32, #tpu.memory_space<hbm>>) target(%arg8 : memref<128xi32, #tpu.memory_space<vmem>>) target_semaphore(%run_scoped3A : memref<!tpu.dma_semaphore, #tpu.memory_space<semaphore_mem>>)
        %dma_wait3A_62 = tpu.memref_slice %arg4[%add3A_45] : memref<323584xi32, #tpu.memory_space<hbm>> -> memref<128xi32, #tpu.memory_space<hbm>>
        %dma_wait3A_63 = tpu.memref_slice %arg4[%add3A_45] : memref<323584xi32, #tpu.memory_space<hbm>> -> memref<128xi32, #tpu.memory_space<hbm>>
        tpu.wait_dma2 semaphore(%run_scoped3A : memref<!tpu.dma_semaphore, #tpu.memory_space<semaphore_mem>>) src(%dma_wait3A_63 : memref<128xi32, #tpu.memory_space<hbm>>) dst(%arg8 : memref<128xi32, #tpu.memory_space<vmem>>)
        tpu.yield
      }) : () -> ()
      "tpu.region"() ({
        %run_scoped3A = tpu.sem_alloc : memref<!tpu.dma_semaphore, #tpu.memory_space<semaphore_mem>>
        %dma_start3A_60 = tpu.memref_slice %arg5[%add3A_45] : memref<323584xi32, #tpu.memory_space<hbm>> -> memref<128xi32, #tpu.memory_space<hbm>>
        %dma_start3A_61 = tpu.memref_slice %arg5[%add3A_45] : memref<323584xi32, #tpu.memory_space<hbm>> -> memref<128xi32, #tpu.memory_space<hbm>>
        tpu.enqueue_dma source(%dma_start3A_61 : memref<128xi32, #tpu.memory_space<hbm>>) target(%arg9 : memref<128xi32, #tpu.memory_space<vmem>>) target_semaphore(%run_scoped3A : memref<!tpu.dma_semaphore, #tpu.memory_space<semaphore_mem>>)
        %dma_wait3A_62 = tpu.memref_slice %arg5[%add3A_45] : memref<323584xi32, #tpu.memory_space<hbm>> -> memref<128xi32, #tpu.memory_space<hbm>>
        %dma_wait3A_63 = tpu.memref_slice %arg5[%add3A_45] : memref<323584xi32, #tpu.memory_space<hbm>> -> memref<128xi32, #tpu.memory_space<hbm>>
        tpu.wait_dma2 semaphore(%run_scoped3A : memref<!tpu.dma_semaphore, #tpu.memory_space<semaphore_mem>>) src(%dma_wait3A_63 : memref<128xi32, #tpu.memory_space<hbm>>) dst(%arg9 : memref<128xi32, #tpu.memory_space<vmem>>)
        tpu.yield
      }) : () -> ()
      %dma_start3A = arith.constant 0 : i32
      %dma_start3A_46 = arith.constant 0 : i32
      %dma_start3A_47 = tpu.memref_slice %arg2[%dma_start3A, %dma_start3A_46] : memref<10240x128xf32, #tpu.memory_space<hbm>> -> memref<10240x128xf32, #tpu.memory_space<hbm>>
      tpu.enqueue_indirect_dma source(%dma_start3A_47 : memref<10240x128xf32, #tpu.memory_space<hbm>>) target(%arg10 : memref<128x128xf32, #tpu.memory_space<vmem>>) offsets(%arg8 : memref<128xi32, #tpu.memory_space<vmem>>) semaphore(%arg12 : memref<!tpu.dma_semaphore, #tpu.memory_space<semaphore_mem>>)
      %dma_wait3A = arith.constant 0 : i32
      %dma_wait3A_48 = arith.constant 0 : i32
      %dma_wait3A_49 = tpu.memref_slice %arg2[%dma_wait3A, %dma_wait3A_48] : memref<10240x128xf32, #tpu.memory_space<hbm>> -> memref<10240x128xf32, #tpu.memory_space<hbm>>
      tpu.wait_indirect_dma semaphore(%arg12 : memref<!tpu.dma_semaphore, #tpu.memory_space<semaphore_mem>>) src(%dma_wait3A_49 : memref<10240x128xf32, #tpu.memory_space<hbm>>) dst(%arg10 : memref<128x128xf32, #tpu.memory_space<vmem>>)
      %add3A_50 = arith.constant 647168 : i32
      %add3A_51 = arith.addi %add3A_50, %add3A_45 : i32
      "tpu.region"() ({
        %run_scoped3A = tpu.sem_alloc : memref<!tpu.dma_semaphore, #tpu.memory_space<semaphore_mem>>
        %dma_start3A_60 = arith.constant 0 : i32
        %dma_start3A_61 = tpu.memref_slice %arg3[%add3A_51, %dma_start3A_60] : memref<970752x128xf32, #tpu.memory_space<hbm>> -> memref<128x128xf32, #tpu.memory_space<hbm>>
        %dma_start3A_62 = arith.constant 0 : i32
        %dma_start3A_63 = tpu.memref_slice %arg3[%add3A_51, %dma_start3A_62] : memref<970752x128xf32, #tpu.memory_space<hbm>> -> memref<128x128xf32, #tpu.memory_space<hbm>>
        tpu.enqueue_dma source(%dma_start3A_63 : memref<128x128xf32, #tpu.memory_space<hbm>>) target(%arg11 : memref<128x128xf32, #tpu.memory_space<vmem>>) target_semaphore(%run_scoped3A : memref<!tpu.dma_semaphore, #tpu.memory_space<semaphore_mem>>)
        %dma_wait3A_64 = arith.constant 0 : i32
        %dma_wait3A_65 = tpu.memref_slice %arg3[%add3A_51, %dma_wait3A_64] : memref<970752x128xf32, #tpu.memory_space<hbm>> -> memref<128x128xf32, #tpu.memory_space<hbm>>
        %dma_wait3A_66 = arith.constant 0 : i32
        %dma_wait3A_67 = tpu.memref_slice %arg3[%add3A_51, %dma_wait3A_66] : memref<970752x128xf32, #tpu.memory_space<hbm>> -> memref<128x128xf32, #tpu.memory_space<hbm>>
        tpu.wait_dma2 semaphore(%run_scoped3A : memref<!tpu.dma_semaphore, #tpu.memory_space<semaphore_mem>>) src(%dma_wait3A_67 : memref<128x128xf32, #tpu.memory_space<hbm>>) dst(%arg11 : memref<128x128xf32, #tpu.memory_space<vmem>>)
        tpu.yield
      }) : () -> ()
      %scan3A_52 = arith.constant 0 : i32
      %scan3A_53 = arith.constant 0 : i32
      %scan3A_54 = arith.constant 1024 : i32
      %scan3A_55 = arith.addi %scan3A_53, %scan3A_54 : i32
      %scan3A_56 = arith.constant 1 : i32
      %scan3A_57 = scf.for %scan3A_60 = %scan3A_53 to %scan3A_55 step %scan3A_56 iter_args(%scan3A_61 = %scan3A_52) -> (i32)  : i32 {
        %jit3A = arith.constant 8 : i32
        %div3A = arith.divsi %scan3A_60, %jit3A : i32
        %sign3A = arith.constant 0 : i32
        %sign3A_62 = arith.cmpi sgt, %scan3A_60, %sign3A : i32
        %sign3A_63 = arith.extui %sign3A_62 : i1 to i32
        %sign3A_64 = arith.constant 0 : i32
        %sign3A_65 = arith.cmpi slt, %scan3A_60, %sign3A_64 : i32
        %sign3A_66 = arith.extui %sign3A_65 : i1 to i32
        %sign3A_67 = arith.subi %sign3A_63, %sign3A_66 : i32
        %sign3A_68 = arith.constant 0 : i32
        %sign3A_69 = arith.cmpi sgt, %jit3A, %sign3A_68 : i32
        %sign3A_70 = arith.extui %sign3A_69 : i1 to i32
        %sign3A_71 = arith.constant 0 : i32
        %sign3A_72 = arith.cmpi slt, %jit3A, %sign3A_71 : i32
        %sign3A_73 = arith.extui %sign3A_72 : i1 to i32
        %sign3A_74 = arith.subi %sign3A_70, %sign3A_73 : i32
        %ne3A = arith.cmpi ne, %sign3A_67, %sign3A_74 : i32
        %rem3A = arith.remsi %scan3A_60, %jit3A : i32
        %ne3A_75 = arith.constant 0 : i32
        %ne3A_76 = arith.cmpi ne, %rem3A, %ne3A_75 : i32
        %and3A = arith.andi %ne3A, %ne3A_76 : i1
        %sub3A = arith.constant 1 : i32
        %sub3A_77 = arith.subi %div3A, %sub3A : i32
        %select_n3A = arith.select %and3A, %sub3A_77, %div3A : i32
        %jit3A_78 = arith.constant 8 : i32
        %eq3A = arith.constant 0 : i32
        %eq3A_79 = arith.cmpi eq, %jit3A_78, %eq3A : i32
        %jit3A_80 = arith.constant 1 : i32
        %select_n3A_81 = arith.select %eq3A_79, %jit3A_80, %jit3A_78 : i32
        %rem3A_82 = arith.remsi %scan3A_60, %select_n3A_81 : i32
        %ne3A_83 = arith.constant 0 : i32
        %ne3A_84 = arith.cmpi ne, %rem3A_82, %ne3A_83 : i32
        %lt3A = arith.constant 0 : i32
        %lt3A_85 = arith.cmpi slt, %rem3A_82, %lt3A : i32
        %lt3A_86 = arith.constant 0 : i32
        %lt3A_87 = arith.cmpi slt, %select_n3A_81, %lt3A_86 : i32
        %ne3A_88 = arith.xori %lt3A_85, %lt3A_87 : i1
        %and3A_89 = arith.andi %ne3A_88, %ne3A_84 : i1
        %add3A_90 = arith.addi %rem3A_82, %select_n3A_81 : i32
        %select_n3A_91 = arith.select %and3A_89, %add3A_90, %rem3A_82 : i32
        %mul3A_92 = arith.constant 16 : i32
        %mul3A_93 = arith.muli %select_n3A_91, %mul3A_92 : i32
        %get3A = arith.index_cast %select_n3A : i32 to index
        %get3A_94 = arith.index_cast %mul3A_93 : i32 to index
        %get3A_95 = tpu.vector_load %arg10[%get3A, %get3A_94] {strides = array<i32>} : memref<128x128xf32, #tpu.memory_space<vmem>>, vector<1x16xf32>,
        %get3A_96 = vector.shape_cast %get3A_95 : vector<1x16xf32> to vector<16xf32>
        %get3A_97 = arith.index_cast %select_n3A : i32 to index
        %get3A_98 = arith.index_cast %mul3A_93 : i32 to index
        %get3A_99 = tpu.vector_load %arg11[%get3A_97, %get3A_98] {strides = array<i32>} : memref<128x128xf32, #tpu.memory_space<vmem>>, vector<1x16xf32>,
        %get3A_100 = vector.shape_cast %get3A_99 : vector<1x16xf32> to vector<16xf32>
        %add3A_101 = arith.addf %get3A_96, %get3A_100 : vector<16xf32>
        %max3A = arith.constant 0.000000e+00 : f32
        %max3A_102 = vector.broadcast %max3A : f32 to vector<16xf32>
        %max3A_103 = arith.maximumf %add3A_101, %max3A_102 : vector<16xf32>
        %swap3A = arith.index_cast %select_n3A : i32 to index
        %swap3A_104 = arith.index_cast %mul3A_93 : i32 to index
        %swap3A_105 = tpu.vector_load %arg11[%swap3A, %swap3A_104] {strides = array<i32>} : memref<128x128xf32, #tpu.memory_space<vmem>>, vector<1x16xf32>,
        %swap3A_106 = vector.shape_cast %swap3A_105 : vector<1x16xf32> to vector<16xf32>
        %swap3A_107 = vector.shape_cast %max3A_103 : vector<16xf32> to vector<1x16xf32>
        tpu.vector_store %arg11[%swap3A, %swap3A_104], %swap3A_107 {strides = array<i32>} : memref<128x128xf32, #tpu.memory_space<vmem>>, vector<1x16xf32>,
        %scan3A_108 = arith.constant 0 : i32
        scf.yield %scan3A_108 : i32
      }
      %scan3A_58 = arith.constant 1024 : i32
      "tpu.region"() ({
        %run_scoped3A = tpu.sem_alloc : memref<!tpu.dma_semaphore, #tpu.memory_space<semaphore_mem>>
        %dma_start3A_60 = arith.constant 0 : i32
        %dma_start3A_61 = arith.constant 0 : i32
        %dma_start3A_62 = tpu.memref_slice %arg7[%dma_start3A_60, %dma_start3A_61] : memref<10240x128xf32, #tpu.memory_space<vmem_shared>> -> memref<10240x128xf32, #tpu.memory_space<vmem_shared>>
        tpu.enqueue_indirect_dma source(%arg11 : memref<128x128xf32, #tpu.memory_space<vmem>>) target(%dma_start3A_62 : memref<10240x128xf32, #tpu.memory_space<vmem_shared>>) offsets(%arg9 : memref<128xi32, #tpu.memory_space<vmem>>) semaphore(%run_scoped3A : memref<!tpu.dma_semaphore, #tpu.memory_space<semaphore_mem>>) {add = true}
        %dma_wait3A_63 = arith.constant 0 : i32
        %dma_wait3A_64 = arith.constant 0 : i32
        %dma_wait3A_65 = tpu.memref_slice %arg7[%dma_wait3A_63, %dma_wait3A_64] : memref<10240x128xf32, #tpu.memory_space<vmem_shared>> -> memref<10240x128xf32, #tpu.memory_space<vmem_shared>>
        tpu.wait_indirect_dma semaphore(%run_scoped3A : memref<!tpu.dma_semaphore, #tpu.memory_space<semaphore_mem>>) src(%arg11 : memref<128x128xf32, #tpu.memory_space<vmem>>) dst(%dma_wait3A_65 : memref<10240x128xf32, #tpu.memory_space<vmem_shared>>)
        tpu.yield
      }) : () -> ()
      %scan3A_59 = arith.constant 0 : i32
      scf.yield %scan3A_59 : i32
    }
    %scan3A_33 = arith.constant 79 : i32
    %barrier3A_34 = arith.constant 0 : index
    tpu.barrier barrier_id(%barrier3A_34)
    %mul3A_35 = arith.constant 640 : i32
    %mul3A_36 = arith.muli %arg1, %mul3A_35 : i32
    %mul3A_37 = arith.constant 640 : i32
    %mul3A_38 = arith.muli %arg1, %mul3A_37 : i32
    "tpu.region"() ({
      %run_scoped3A = tpu.sem_alloc : memref<!tpu.dma_semaphore, #tpu.memory_space<semaphore_mem>>
      %dma_start3A = arith.constant 0 : i32
      %dma_start3A_39 = tpu.memref_slice %arg6[%arg0, %mul3A_38, %dma_start3A] : memref<2x10240x128xf32, #tpu.memory_space<hbm>> -> memref<1x640x128xf32, #tpu.memory_space<hbm>>
      %dma_start3A_40 = tpu.memref_squeeze %dma_start3A_39 : memref<1x640x128xf32, #tpu.memory_space<hbm>> -> memref<640x128xf32, #tpu.memory_space<hbm>>
      %dma_start3A_41 = arith.constant 0 : i32
      %dma_start3A_42 = tpu.memref_slice %arg7[%mul3A_36, %dma_start3A_41] : memref<10240x128xf32, #tpu.memory_space<vmem_shared>> -> memref<640x128xf32, #tpu.memory_space<vmem_shared>>
      tpu.enqueue_dma source(%dma_start3A_42 : memref<640x128xf32, #tpu.memory_space<vmem_shared>>) target(%dma_start3A_40 : memref<640x128xf32, #tpu.memory_space<hbm>>) target_semaphore(%run_scoped3A : memref<!tpu.dma_semaphore, #tpu.memory_space<semaphore_mem>>)
      %dma_wait3A = arith.constant 0 : i32
      %dma_wait3A_43 = tpu.memref_slice %arg6[%arg0, %mul3A_38, %dma_wait3A] : memref<2x10240x128xf32, #tpu.memory_space<hbm>> -> memref<1x640x128xf32, #tpu.memory_space<hbm>>
      %dma_wait3A_44 = tpu.memref_squeeze %dma_wait3A_43 : memref<1x640x128xf32, #tpu.memory_space<hbm>> -> memref<640x128xf32, #tpu.memory_space<hbm>>
      %dma_wait3A_45 = arith.constant 0 : i32
      %dma_wait3A_46 = tpu.memref_slice %arg7[%mul3A_36, %dma_wait3A_45] : memref<10240x128xf32, #tpu.memory_space<vmem_shared>> -> memref<640x128xf32, #tpu.memory_space<vmem_shared>>
      tpu.wait_dma2 semaphore(%run_scoped3A : memref<!tpu.dma_semaphore, #tpu.memory_space<semaphore_mem>>) src(%dma_wait3A_46 : memref<640x128xf32, #tpu.memory_space<vmem_shared>>) dst(%dma_wait3A_44 : memref<640x128xf32, #tpu.memory_space<hbm>>)
      tpu.yield
    }) : () -> ()
    return
  }
}

module attributes {stable_mosaic.version = 14 : i64} {
  func.func @_in_proj_body(%arg0: i32, %arg1: memref<512x128xf32, #tpu.memory_space<vmem>>, %arg2: memref<128x128xf32, #tpu.memory_space<vmem>>, %arg3: memref<1x128xf32, #tpu.memory_space<vmem>>, %arg4: memref<128x128xf32, #tpu.memory_space<vmem>>, %arg5: memref<512x128xf32, #tpu.memory_space<vmem>>, %arg6: memref<512x128xf32, #tpu.memory_space<vmem>>) attributes {dimension_semantics = [#tpu.dimension_semantics<arbitrary>], iteration_bounds = array<i64: 20>, scalar_prefetch = 0 : i64, scratch_operands = 0 : i64, tpu.core_type = #tpu.core_type<tc>, window_params = [{transform_indices = @transform_0, window_bounds = array<i64: 512, 128>}, {pipeline_mode = #tpu.pipeline_mode<synchronous>, transform_indices = @transform_1, window_bounds = array<i64: 128, 128>}, {pipeline_mode = #tpu.pipeline_mode<synchronous>, transform_indices = @transform_2, window_bounds = array<i64: 1, 128>}, {pipeline_mode = #tpu.pipeline_mode<synchronous>, transform_indices = @transform_3, window_bounds = array<i64: 128, 128>}, {transform_indices = @transform_4, window_bounds = array<i64: 512, 128>}, {transform_indices = @transform_5, window_bounds = array<i64: 512, 128>}]} {
    %get3A = arith.constant 0 : index
    %get3A_0 = arith.constant 0 : index
    %get3A_1 = vector.load %arg1[%get3A, %get3A_0] : memref<512x128xf32, #tpu.memory_space<vmem>>, vector<512x128xf32>
    %get3A_2 = arith.constant 0 : index
    %get3A_3 = arith.constant 0 : index
    %get3A_4 = vector.load %arg2[%get3A_2, %get3A_3] : memref<128x128xf32, #tpu.memory_space<vmem>>, vector<128x128xf32>
    %dot_general3A = arith.constant dense<0.000000e+00> : vector<512x128xf32>
    %dot_general3A_5 = tpu.matmul %get3A_1, %get3A_4, %dot_general3A {dimension_numbers = #tpu.dot_dimension_numbers<[1], [0], [0], [1], [0, 0, 1, 1], [], []>, transpose_lhs_hint = false} : vector<512x128xf32>, vector<128x128xf32>, vector<512x128xf32> -> vector<512x128xf32>
    %get3A_6 = arith.constant 0 : index
    %get3A_7 = arith.constant 0 : index
    %get3A_8 = vector.load %arg3[%get3A_6, %get3A_7] : memref<1x128xf32, #tpu.memory_space<vmem>>, vector<1x128xf32>
    %add3A = vector.broadcast %get3A_8 : vector<1x128xf32> to vector<512x128xf32>
    %add3A_9 = arith.addf %dot_general3A_5, %add3A : vector<512x128xf32>
    %max3A = arith.constant 0.000000e+00 : f32
    %max3A_10 = vector.broadcast %max3A : f32 to vector<512x128xf32>
    %max3A_11 = arith.maximumf %add3A_9, %max3A_10 : vector<512x128xf32>
    %swap3A = arith.constant 0 : index
    %swap3A_12 = arith.constant 0 : index
    %swap3A_13 = vector.load %arg5[%swap3A, %swap3A_12] : memref<512x128xf32, #tpu.memory_space<vmem>>, vector<512x128xf32>
    tpu.vector_store %arg5[%swap3A, %swap3A_12], %max3A_11 {strides = array<i32>} : memref<512x128xf32, #tpu.memory_space<vmem>>, vector<512x128xf32>,
    %get3A_14 = arith.constant 0 : index
    %get3A_15 = arith.constant 0 : index
    %get3A_16 = vector.load %arg4[%get3A_14, %get3A_15] : memref<128x128xf32, #tpu.memory_space<vmem>>, vector<128x128xf32>
    %dot_general3A_17 = arith.constant dense<0.000000e+00> : vector<512x128xf32>
    %dot_general3A_18 = tpu.matmul %max3A_11, %get3A_16, %dot_general3A_17 {dimension_numbers = #tpu.dot_dimension_numbers<[1], [0], [0], [1], [0, 0, 1, 1], [], []>, transpose_lhs_hint = false} : vector<512x128xf32>, vector<128x128xf32>, vector<512x128xf32> -> vector<512x128xf32>
    %swap3A_19 = arith.constant 0 : index
    %swap3A_20 = arith.constant 0 : index
    %swap3A_21 = vector.load %arg6[%swap3A_19, %swap3A_20] : memref<512x128xf32, #tpu.memory_space<vmem>>, vector<512x128xf32>
    tpu.vector_store %arg6[%swap3A_19, %swap3A_20], %dot_general3A_18 {strides = array<i32>} : memref<512x128xf32, #tpu.memory_space<vmem>>, vector<512x128xf32>,
    return
  }
  func.func @transform_0(%arg0: i32) -> (i32, i32) {
    %c0_i32 = arith.constant 0 : i32
    %c0_i32_0 = arith.constant 0 : i32
    return %arg0, %c0_i32 : i32, i32
  }
  func.func @transform_1(%arg0: i32) -> (i32, i32) {
    %c0_i32 = arith.constant 0 : i32
    %c0_i32_0 = arith.constant 0 : i32
    %c0_i32_1 = arith.constant 0 : i32
    return %c0_i32, %c0_i32_0 : i32, i32
  }
  func.func @transform_2(%arg0: i32) -> (i32, i32) {
    %c0_i32 = arith.constant 0 : i32
    %c0_i32_0 = arith.constant 0 : i32
    %c0_i32_1 = arith.constant 0 : i32
    return %c0_i32, %c0_i32_0 : i32, i32
  }
  func.func @transform_3(%arg0: i32) -> (i32, i32) {
    %c0_i32 = arith.constant 0 : i32
    %c0_i32_0 = arith.constant 0 : i32
    %c0_i32_1 = arith.constant 0 : i32
    return %c0_i32, %c0_i32_0 : i32, i32
  }
  func.func @transform_4(%arg0: i32) -> (i32, i32) {
    %c0_i32 = arith.constant 0 : i32
    %c0_i32_0 = arith.constant 0 : i32
    return %arg0, %c0_i32 : i32, i32
  }
  func.func @transform_5(%arg0: i32) -> (i32, i32) {
    %c0_i32 = arith.constant 0 : i32
    %c0_i32_0 = arith.constant 0 : i32
    return %arg0, %c0_i32 : i32, i32
  }
}

module attributes {stable_mosaic.version = 14 : i64} {
  func.func @_edge_pre_body(%arg0: i32, %arg1: i32, %arg2: memref<512x16xf32, #tpu.memory_space<vmem>>, %arg3: memref<512x2xf32, #tpu.memory_space<vmem>>, %arg4: memref<1x16x128xf32, #tpu.memory_space<vmem>>, %arg5: memref<1x2x128xf32, #tpu.memory_space<vmem>>, %arg6: memref<1x1x128xf32, #tpu.memory_space<vmem>>, %arg7: memref<1x512x128xf32, #tpu.memory_space<vmem>>) attributes {dimension_semantics = [#tpu.dimension_semantics<arbitrary>, #tpu.dimension_semantics<arbitrary>], iteration_bounds = array<i64: 3, 632>, scalar_prefetch = 0 : i64, scratch_operands = 0 : i64, tpu.core_type = #tpu.core_type<tc>, window_params = [{transform_indices = @transform_0, window_bounds = array<i64: 512, 16>}, {transform_indices = @transform_1, window_bounds = array<i64: 512, 2>}, {transform_indices = @transform_2, window_bounds = array<i64: 1, 16, 128>}, {transform_indices = @transform_3, window_bounds = array<i64: 1, 2, 128>}, {transform_indices = @transform_4, window_bounds = array<i64: 1, 1, 128>}, {transform_indices = @transform_5, window_bounds = array<i64: 1, 512, 128>}]} {
    %get3A = arith.constant 0 : index
    %get3A_0 = arith.constant 0 : index
    %get3A_1 = vector.load %arg2[%get3A, %get3A_0] : memref<512x16xf32, #tpu.memory_space<vmem>>, vector<512x16xf32>
    %get3A_2 = arith.constant 0 : index
    %get3A_3 = arith.constant 0 : index
    %get3A_4 = arith.constant 0 : index
    %get3A_5 = vector.load %arg4[%get3A_2, %get3A_3, %get3A_4] : memref<1x16x128xf32, #tpu.memory_space<vmem>>, vector<1x16x128xf32>
    %get3A_6 = vector.shape_cast %get3A_5 : vector<1x16x128xf32> to vector<16x128xf32>
    %dot_general3A = arith.constant dense<0.000000e+00> : vector<512x128xf32>
    %dot_general3A_7 = tpu.matmul %get3A_1, %get3A_6, %dot_general3A {dimension_numbers = #tpu.dot_dimension_numbers<[1], [0], [0], [1], [0, 0, 1, 1], [], []>, transpose_lhs_hint = false} : vector<512x16xf32>, vector<16x128xf32>, vector<512x128xf32> -> vector<512x128xf32>
    %get3A_8 = arith.constant 0 : index
    %get3A_9 = arith.constant 0 : index
    %get3A_10 = vector.load %arg3[%get3A_8, %get3A_9] : memref<512x2xf32, #tpu.memory_space<vmem>>, vector<512x2xf32>
    %get3A_11 = arith.constant 0 : index
    %get3A_12 = arith.constant 0 : index
    %get3A_13 = arith.constant 0 : index
    %get3A_14 = vector.load %arg5[%get3A_11, %get3A_12, %get3A_13] : memref<1x2x128xf32, #tpu.memory_space<vmem>>, vector<1x2x128xf32>
    %get3A_15 = vector.shape_cast %get3A_14 : vector<1x2x128xf32> to vector<2x128xf32>
    %dot_general3A_16 = arith.constant dense<0.000000e+00> : vector<512x128xf32>
    %dot_general3A_17 = tpu.matmul %get3A_10, %get3A_15, %dot_general3A_16 {dimension_numbers = #tpu.dot_dimension_numbers<[1], [0], [0], [1], [0, 0, 1, 1], [], []>, transpose_lhs_hint = false} : vector<512x2xf32>, vector<2x128xf32>, vector<512x128xf32> -> vector<512x128xf32>
    %add3A = arith.addf %dot_general3A_7, %dot_general3A_17 : vector<512x128xf32>
    %get3A_18 = arith.constant 0 : index
    %get3A_19 = arith.constant 0 : index
    %get3A_20 = arith.constant 0 : index
    %get3A_21 = vector.load %arg6[%get3A_18, %get3A_19, %get3A_20] : memref<1x1x128xf32, #tpu.memory_space<vmem>>, vector<1x1x128xf32>
    %get3A_22 = vector.shape_cast %get3A_21 : vector<1x1x128xf32> to vector<1x128xf32>
    %add3A_23 = vector.broadcast %get3A_22 : vector<1x128xf32> to vector<512x128xf32>
    %add3A_24 = arith.addf %add3A, %add3A_23 : vector<512x128xf32>
    %swap3A = arith.constant 0 : index
    %swap3A_25 = arith.constant 0 : index
    %swap3A_26 = arith.constant 0 : index
    %swap3A_27 = vector.load %arg7[%swap3A, %swap3A_25, %swap3A_26] : memref<1x512x128xf32, #tpu.memory_space<vmem>>, vector<1x512x128xf32>
    %swap3A_28 = vector.shape_cast %swap3A_27 : vector<1x512x128xf32> to vector<512x128xf32>
    %swap3A_29 = vector.shape_cast %add3A_24 : vector<512x128xf32> to vector<1x512x128xf32>
    tpu.vector_store %arg7[%swap3A, %swap3A_25, %swap3A_26], %swap3A_29 {strides = array<i32>} : memref<1x512x128xf32, #tpu.memory_space<vmem>>, vector<1x512x128xf32>,
    return
  }
  func.func @transform_0(%arg0: i32, %arg1: i32) -> (i32, i32) {
    %c0_i32 = arith.constant 0 : i32
    %c0_i32_0 = arith.constant 0 : i32
    return %arg1, %c0_i32 : i32, i32
  }
  func.func @transform_1(%arg0: i32, %arg1: i32) -> (i32, i32) {
    %c0_i32 = arith.constant 0 : i32
    %c0_i32_0 = arith.constant 0 : i32
    return %arg1, %c0_i32 : i32, i32
  }
  func.func @transform_2(%arg0: i32, %arg1: i32) -> (i32, i32, i32) {
    %c0_i32 = arith.constant 0 : i32
    %c0_i32_0 = arith.constant 0 : i32
    %c0_i32_1 = arith.constant 0 : i32
    return %arg0, %c0_i32, %c0_i32_0 : i32, i32, i32
  }
  func.func @transform_3(%arg0: i32, %arg1: i32) -> (i32, i32, i32) {
    %c0_i32 = arith.constant 0 : i32
    %c0_i32_0 = arith.constant 0 : i32
    %c0_i32_1 = arith.constant 0 : i32
    return %arg0, %c0_i32, %c0_i32_0 : i32, i32, i32
  }
  func.func @transform_4(%arg0: i32, %arg1: i32) -> (i32, i32, i32) {
    %c0_i32 = arith.constant 0 : i32
    %c0_i32_0 = arith.constant 0 : i32
    %c0_i32_1 = arith.constant 0 : i32
    return %arg0, %c0_i32, %c0_i32_0 : i32, i32, i32
  }
  func.func @transform_5(%arg0: i32, %arg1: i32) -> (i32, i32, i32) {
    %c0_i32 = arith.constant 0 : i32
    %c0_i32_0 = arith.constant 0 : i32
    return %arg0, %arg1, %c0_i32 : i32, i32, i32
  }
}

module attributes {stable_mosaic.version = 14 : i64} {
  func.func @_update_mid_body(%arg0: i32, %arg1: memref<2x512x128xf32, #tpu.memory_space<vmem>>, %arg2: memref<512x1xf32, #tpu.memory_space<vmem>>, %arg3: memref<512x128xf32, #tpu.memory_space<vmem>>, %arg4: memref<128x128xf32, #tpu.memory_space<vmem>>, %arg5: memref<1x128xf32, #tpu.memory_space<vmem>>, %arg6: memref<128x128xf32, #tpu.memory_space<vmem>>, %arg7: memref<128x128xf32, #tpu.memory_space<vmem>>, %arg8: memref<1x128xf32, #tpu.memory_space<vmem>>, %arg9: memref<128x128xf32, #tpu.memory_space<vmem>>, %arg10: memref<1x128xf32, #tpu.memory_space<vmem>>, %arg11: memref<128x128xf32, #tpu.memory_space<vmem>>, %arg12: memref<512x128xf32, #tpu.memory_space<vmem>>, %arg13: memref<512x128xf32, #tpu.memory_space<vmem>>) attributes {dimension_semantics = [#tpu.dimension_semantics<arbitrary>], iteration_bounds = array<i64: 20>, scalar_prefetch = 0 : i64, scratch_operands = 0 : i64, tpu.core_type = #tpu.core_type<tc>, window_params = [{transform_indices = @transform_0, window_bounds = array<i64: 2, 512, 128>}, {transform_indices = @transform_1, window_bounds = array<i64: 512, 1>}, {transform_indices = @transform_2, window_bounds = array<i64: 512, 128>}, {pipeline_mode = #tpu.pipeline_mode<synchronous>, transform_indices = @transform_3, window_bounds = array<i64: 128, 128>}, {pipeline_mode = #tpu.pipeline_mode<synchronous>, transform_indices = @transform_4, window_bounds = array<i64: 1, 128>}, {pipeline_mode = #tpu.pipeline_mode<synchronous>, transform_indices = @transform_5, window_bounds = array<i64: 128, 128>}, {pipeline_mode = #tpu.pipeline_mode<synchronous>, transform_indices = @transform_6, window_bounds = array<i64: 128, 128>}, {pipeline_mode = #tpu.pipeline_mode<synchronous>, transform_indices = @transform_7, window_bounds = array<i64: 1, 128>}, {pipeline_mode = #tpu.pipeline_mode<synchronous>, transform_indices = @transform_8, window_bounds = array<i64: 128, 128>}, {pipeline_mode = #tpu.pipeline_mode<synchronous>, transform_indices = @transform_9, window_bounds = array<i64: 1, 128>}, {pipeline_mode = #tpu.pipeline_mode<synchronous>, transform_indices = @transform_10, window_bounds = array<i64: 128, 128>}, {transform_indices = @transform_11, window_bounds = array<i64: 512, 128>}, {transform_indices = @transform_12, window_bounds = array<i64: 512, 128>}]} {
    %get3A = arith.constant 0 : index
    %get3A_0 = arith.constant 0 : index
    %get3A_1 = arith.constant 0 : index
    %get3A_2 = vector.load %arg1[%get3A, %get3A_0, %get3A_1] : memref<2x512x128xf32, #tpu.memory_space<vmem>>, vector<1x512x128xf32>
    %get3A_3 = vector.shape_cast %get3A_2 : vector<1x512x128xf32> to vector<512x128xf32>
    %get3A_4 = arith.constant 1 : index
    %get3A_5 = arith.constant 0 : index
    %get3A_6 = arith.constant 0 : index
    %get3A_7 = vector.load %arg1[%get3A_4, %get3A_5, %get3A_6] : memref<2x512x128xf32, #tpu.memory_space<vmem>>, vector<1x512x128xf32>
    %get3A_8 = vector.shape_cast %get3A_7 : vector<1x512x128xf32> to vector<512x128xf32>
    %add3A = arith.addf %get3A_3, %get3A_8 : vector<512x128xf32>
    %get3A_9 = arith.constant 0 : index
    %get3A_10 = arith.constant 0 : index
    %get3A_11 = vector.load %arg2[%get3A_9, %get3A_10] : memref<512x1xf32, #tpu.memory_space<vmem>>, vector<512x1xf32>
    %eq3A = arith.constant 0.000000e+00 : f32
    %eq3A_12 = vector.broadcast %eq3A : f32 to vector<512x1xf32>
    %eq3A_13 = arith.cmpf oeq, %get3A_11, %eq3A_12 : vector<512x1xf32>
    %jit3A = arith.constant 1.000000e+00 : f32
    %broadcast_in_dim3A = vector.broadcast %jit3A : f32 to vector<512x1xf32>
    %select_n3A = arith.select %eq3A_13, %broadcast_in_dim3A, %get3A_11 : vector<512x1xi1>, vector<512x1xf32>
    %div3A = vector.broadcast %select_n3A : vector<512x1xf32> to vector<512x128xf32>
    %div3A_14 = arith.divf %add3A, %div3A : vector<512x128xf32>
    %get3A_15 = arith.constant 0 : index
    %get3A_16 = arith.constant 0 : index
    %get3A_17 = vector.load %arg4[%get3A_15, %get3A_16] : memref<128x128xf32, #tpu.memory_space<vmem>>, vector<128x128xf32>
    %dot_general3A = arith.constant dense<0.000000e+00> : vector<512x128xf32>
    %dot_general3A_18 = tpu.matmul %div3A_14, %get3A_17, %dot_general3A {dimension_numbers = #tpu.dot_dimension_numbers<[1], [0], [0], [1], [0, 0, 1, 1], [], []>, transpose_lhs_hint = false} : vector<512x128xf32>, vector<128x128xf32>, vector<512x128xf32> -> vector<512x128xf32>
    %get3A_19 = arith.constant 0 : index
    %get3A_20 = arith.constant 0 : index
    %get3A_21 = vector.load %arg5[%get3A_19, %get3A_20] : memref<1x128xf32, #tpu.memory_space<vmem>>, vector<1x128xf32>
    %add3A_22 = vector.broadcast %get3A_21 : vector<1x128xf32> to vector<512x128xf32>
    %add3A_23 = arith.addf %dot_general3A_18, %add3A_22 : vector<512x128xf32>
    %get3A_24 = arith.constant 0 : index
    %get3A_25 = arith.constant 0 : index
    %get3A_26 = vector.load %arg3[%get3A_24, %get3A_25] : memref<512x128xf32, #tpu.memory_space<vmem>>, vector<512x128xf32>
    %get3A_27 = arith.constant 0 : index
    %get3A_28 = arith.constant 0 : index
    %get3A_29 = vector.load %arg6[%get3A_27, %get3A_28] : memref<128x128xf32, #tpu.memory_space<vmem>>, vector<128x128xf32>
    %dot_general3A_30 = arith.constant dense<0.000000e+00> : vector<512x128xf32>
    %dot_general3A_31 = tpu.matmul %get3A_26, %get3A_29, %dot_general3A_30 {dimension_numbers = #tpu.dot_dimension_numbers<[1], [0], [0], [1], [0, 0, 1, 1], [], []>, transpose_lhs_hint = false} : vector<512x128xf32>, vector<128x128xf32>, vector<512x128xf32> -> vector<512x128xf32>
    %get3A_32 = arith.constant 0 : index
    %get3A_33 = arith.constant 0 : index
    %get3A_34 = vector.load %arg7[%get3A_32, %get3A_33] : memref<128x128xf32, #tpu.memory_space<vmem>>, vector<128x128xf32>
    %dot_general3A_35 = arith.constant dense<0.000000e+00> : vector<512x128xf32>
    %dot_general3A_36 = tpu.matmul %add3A_23, %get3A_34, %dot_general3A_35 {dimension_numbers = #tpu.dot_dimension_numbers<[1], [0], [0], [1], [0, 0, 1, 1], [], []>, transpose_lhs_hint = false} : vector<512x128xf32>, vector<128x128xf32>, vector<512x128xf32> -> vector<512x128xf32>
    %add3A_37 = arith.addf %dot_general3A_31, %dot_general3A_36 : vector<512x128xf32>
    %get3A_38 = arith.constant 0 : index
    %get3A_39 = arith.constant 0 : index
    %get3A_40 = vector.load %arg8[%get3A_38, %get3A_39] : memref<1x128xf32, #tpu.memory_space<vmem>>, vector<1x128xf32>
    %add3A_41 = vector.broadcast %get3A_40 : vector<1x128xf32> to vector<512x128xf32>
    %add3A_42 = arith.addf %add3A_37, %add3A_41 : vector<512x128xf32>
    %max3A = arith.constant 0.000000e+00 : f32
    %max3A_43 = vector.broadcast %max3A : f32 to vector<512x128xf32>
    %max3A_44 = arith.maximumf %add3A_42, %max3A_43 : vector<512x128xf32>
    %get3A_45 = arith.constant 0 : index
    %get3A_46 = arith.constant 0 : index
    %get3A_47 = vector.load %arg9[%get3A_45, %get3A_46] : memref<128x128xf32, #tpu.memory_space<vmem>>, vector<128x128xf32>
    %dot_general3A_48 = arith.constant dense<0.000000e+00> : vector<512x128xf32>
    %dot_general3A_49 = tpu.matmul %max3A_44, %get3A_47, %dot_general3A_48 {dimension_numbers = #tpu.dot_dimension_numbers<[1], [0], [0], [1], [0, 0, 1, 1], [], []>, transpose_lhs_hint = false} : vector<512x128xf32>, vector<128x128xf32>, vector<512x128xf32> -> vector<512x128xf32>
    %get3A_50 = arith.constant 0 : index
    %get3A_51 = arith.constant 0 : index
    %get3A_52 = vector.load %arg10[%get3A_50, %get3A_51] : memref<1x128xf32, #tpu.memory_space<vmem>>, vector<1x128xf32>
    %add3A_53 = vector.broadcast %get3A_52 : vector<1x128xf32> to vector<512x128xf32>
    %add3A_54 = arith.addf %dot_general3A_49, %add3A_53 : vector<512x128xf32>
    %add3A_55 = arith.addf %get3A_26, %add3A_54 : vector<512x128xf32>
    %max3A_56 = arith.constant 0.000000e+00 : f32
    %max3A_57 = vector.broadcast %max3A_56 : f32 to vector<512x128xf32>
    %max3A_58 = arith.maximumf %add3A_55, %max3A_57 : vector<512x128xf32>
    %swap3A = arith.constant 0 : index
    %swap3A_59 = arith.constant 0 : index
    %swap3A_60 = vector.load %arg12[%swap3A, %swap3A_59] : memref<512x128xf32, #tpu.memory_space<vmem>>, vector<512x128xf32>
    tpu.vector_store %arg12[%swap3A, %swap3A_59], %max3A_58 {strides = array<i32>} : memref<512x128xf32, #tpu.memory_space<vmem>>, vector<512x128xf32>,
    %get3A_61 = arith.constant 0 : index
    %get3A_62 = arith.constant 0 : index
    %get3A_63 = vector.load %arg11[%get3A_61, %get3A_62] : memref<128x128xf32, #tpu.memory_space<vmem>>, vector<128x128xf32>
    %dot_general3A_64 = arith.constant dense<0.000000e+00> : vector<512x128xf32>
    %dot_general3A_65 = tpu.matmul %max3A_58, %get3A_63, %dot_general3A_64 {dimension_numbers = #tpu.dot_dimension_numbers<[1], [0], [0], [1], [0, 0, 1, 1], [], []>, transpose_lhs_hint = false} : vector<512x128xf32>, vector<128x128xf32>, vector<512x128xf32> -> vector<512x128xf32>
    %swap3A_66 = arith.constant 0 : index
    %swap3A_67 = arith.constant 0 : index
    %swap3A_68 = vector.load %arg13[%swap3A_66, %swap3A_67] : memref<512x128xf32, #tpu.memory_space<vmem>>, vector<512x128xf32>
    tpu.vector_store %arg13[%swap3A_66, %swap3A_67], %dot_general3A_65 {strides = array<i32>} : memref<512x128xf32, #tpu.memory_space<vmem>>, vector<512x128xf32>,
    return
  }
  func.func @transform_0(%arg0: i32) -> (i32, i32, i32) {
    %c0_i32 = arith.constant 0 : i32
    %c0_i32_0 = arith.constant 0 : i32
    %c0_i32_1 = arith.constant 0 : i32
    return %c0_i32, %arg0, %c0_i32_0 : i32, i32, i32
  }
  func.func @transform_1(%arg0: i32) -> (i32, i32) {
    %c0_i32 = arith.constant 0 : i32
    %c0_i32_0 = arith.constant 0 : i32
    return %arg0, %c0_i32 : i32, i32
  }
  func.func @transform_2(%arg0: i32) -> (i32, i32) {
    %c0_i32 = arith.constant 0 : i32
    %c0_i32_0 = arith.constant 0 : i32
    return %arg0, %c0_i32 : i32, i32
  }
  func.func @transform_3(%arg0: i32) -> (i32, i32) {
    %c0_i32 = arith.constant 0 : i32
    %c0_i32_0 = arith.constant 0 : i32
    %c0_i32_1 = arith.constant 0 : i32
    return %c0_i32, %c0_i32_0 : i32, i32
  }
  func.func @transform_4(%arg0: i32) -> (i32, i32) {
    %c0_i32 = arith.constant 0 : i32
    %c0_i32_0 = arith.constant 0 : i32
    %c0_i32_1 = arith.constant 0 : i32
    return %c0_i32, %c0_i32_0 : i32, i32
  }
  func.func @transform_5(%arg0: i32) -> (i32, i32) {
    %c0_i32 = arith.constant 0 : i32
    %c0_i32_0 = arith.constant 0 : i32
    %c0_i32_1 = arith.constant 0 : i32
    return %c0_i32, %c0_i32_0 : i32, i32
  }
  func.func @transform_6(%arg0: i32) -> (i32, i32) {
    %c0_i32 = arith.constant 0 : i32
    %c0_i32_0 = arith.constant 0 : i32
    %c0_i32_1 = arith.constant 0 : i32
    return %c0_i32, %c0_i32_0 : i32, i32
  }
  func.func @transform_7(%arg0: i32) -> (i32, i32) {
    %c0_i32 = arith.constant 0 : i32
    %c0_i32_0 = arith.constant 0 : i32
    %c0_i32_1 = arith.constant 0 : i32
    return %c0_i32, %c0_i32_0 : i32, i32
  }
  func.func @transform_8(%arg0: i32) -> (i32, i32) {
    %c0_i32 = arith.constant 0 : i32
    %c0_i32_0 = arith.constant 0 : i32
    %c0_i32_1 = arith.constant 0 : i32
    return %c0_i32, %c0_i32_0 : i32, i32
  }
  func.func @transform_9(%arg0: i32) -> (i32, i32) {
    %c0_i32 = arith.constant 0 : i32
    %c0_i32_0 = arith.constant 0 : i32
    %c0_i32_1 = arith.constant 0 : i32
    return %c0_i32, %c0_i32_0 : i32, i32
  }
  func.func @transform_10(%arg0: i32) -> (i32, i32) {
    %c0_i32 = arith.constant 0 : i32
    %c0_i32_0 = arith.constant 0 : i32
    %c0_i32_1 = arith.constant 0 : i32
    return %c0_i32, %c0_i32_0 : i32, i32
  }
  func.func @transform_11(%arg0: i32) -> (i32, i32) {
    %c0_i32 = arith.constant 0 : i32
    %c0_i32_0 = arith.constant 0 : i32
    return %arg0, %c0_i32 : i32, i32
  }
  func.func @transform_12(%arg0: i32) -> (i32, i32) {
    %c0_i32 = arith.constant 0 : i32
    %c0_i32_0 = arith.constant 0 : i32
    return %arg0, %c0_i32 : i32, i32
  }
}

module attributes {stable_mosaic.version = 14 : i64} {
  func.func @_update_last_body(%arg0: i32, %arg1: memref<2x512x128xf32, #tpu.memory_space<vmem>>, %arg2: memref<512x1xf32, #tpu.memory_space<vmem>>, %arg3: memref<512x128xf32, #tpu.memory_space<vmem>>, %arg4: memref<128x128xf32, #tpu.memory_space<vmem>>, %arg5: memref<1x128xf32, #tpu.memory_space<vmem>>, %arg6: memref<128x128xf32, #tpu.memory_space<vmem>>, %arg7: memref<128x128xf32, #tpu.memory_space<vmem>>, %arg8: memref<1x128xf32, #tpu.memory_space<vmem>>, %arg9: memref<128x128xf32, #tpu.memory_space<vmem>>, %arg10: memref<1x128xf32, #tpu.memory_space<vmem>>, %arg11: memref<128x64xf32, #tpu.memory_space<vmem>>, %arg12: memref<1x64xf32, #tpu.memory_space<vmem>>, %arg13: memref<64x1xf32, #tpu.memory_space<vmem>>, %arg14: memref<1x1xf32, #tpu.memory_space<vmem>>, %arg15: memref<512x1xf32, #tpu.memory_space<vmem>>) attributes {dimension_semantics = [#tpu.dimension_semantics<arbitrary>], iteration_bounds = array<i64: 20>, scalar_prefetch = 0 : i64, scratch_operands = 0 : i64, tpu.core_type = #tpu.core_type<tc>, window_params = [{transform_indices = @transform_0, window_bounds = array<i64: 2, 512, 128>}, {transform_indices = @transform_1, window_bounds = array<i64: 512, 1>}, {transform_indices = @transform_2, window_bounds = array<i64: 512, 128>}, {pipeline_mode = #tpu.pipeline_mode<synchronous>, transform_indices = @transform_3, window_bounds = array<i64: 128, 128>}, {pipeline_mode = #tpu.pipeline_mode<synchronous>, transform_indices = @transform_4, window_bounds = array<i64: 1, 128>}, {pipeline_mode = #tpu.pipeline_mode<synchronous>, transform_indices = @transform_5, window_bounds = array<i64: 128, 128>}, {pipeline_mode = #tpu.pipeline_mode<synchronous>, transform_indices = @transform_6, window_bounds = array<i64: 128, 128>}, {pipeline_mode = #tpu.pipeline_mode<synchronous>, transform_indices = @transform_7, window_bounds = array<i64: 1, 128>}, {pipeline_mode = #tpu.pipeline_mode<synchronous>, transform_indices = @transform_8, window_bounds = array<i64: 128, 128>}, {pipeline_mode = #tpu.pipeline_mode<synchronous>, transform_indices = @transform_9, window_bounds = array<i64: 1, 128>}, {pipeline_mode = #tpu.pipeline_mode<synchronous>, transform_indices = @transform_10, window_bounds = array<i64: 128, 64>}, {pipeline_mode = #tpu.pipeline_mode<synchronous>, transform_indices = @transform_11, window_bounds = array<i64: 1, 64>}, {pipeline_mode = #tpu.pipeline_mode<synchronous>, transform_indices = @transform_12, window_bounds = array<i64: 64, 1>}, {pipeline_mode = #tpu.pipeline_mode<synchronous>, transform_indices = @transform_13, window_bounds = array<i64: 1, 1>}, {transform_indices = @transform_14, window_bounds = array<i64: 512, 1>}]} {
    %get3A = arith.constant 0 : index
    %get3A_0 = arith.constant 0 : index
    %get3A_1 = arith.constant 0 : index
    %get3A_2 = vector.load %arg1[%get3A, %get3A_0, %get3A_1] : memref<2x512x128xf32, #tpu.memory_space<vmem>>, vector<1x512x128xf32>
    %get3A_3 = vector.shape_cast %get3A_2 : vector<1x512x128xf32> to vector<512x128xf32>
    %get3A_4 = arith.constant 1 : index
    %get3A_5 = arith.constant 0 : index
    %get3A_6 = arith.constant 0 : index
    %get3A_7 = vector.load %arg1[%get3A_4, %get3A_5, %get3A_6] : memref<2x512x128xf32, #tpu.memory_space<vmem>>, vector<1x512x128xf32>
    %get3A_8 = vector.shape_cast %get3A_7 : vector<1x512x128xf32> to vector<512x128xf32>
    %add3A = arith.addf %get3A_3, %get3A_8 : vector<512x128xf32>
    %get3A_9 = arith.constant 0 : index
    %get3A_10 = arith.constant 0 : index
    %get3A_11 = vector.load %arg2[%get3A_9, %get3A_10] : memref<512x1xf32, #tpu.memory_space<vmem>>, vector<512x1xf32>
    %eq3A = arith.constant 0.000000e+00 : f32
    %eq3A_12 = vector.broadcast %eq3A : f32 to vector<512x1xf32>
    %eq3A_13 = arith.cmpf oeq, %get3A_11, %eq3A_12 : vector<512x1xf32>
    %jit3A = arith.constant 1.000000e+00 : f32
    %broadcast_in_dim3A = vector.broadcast %jit3A : f32 to vector<512x1xf32>
    %select_n3A = arith.select %eq3A_13, %broadcast_in_dim3A, %get3A_11 : vector<512x1xi1>, vector<512x1xf32>
    %div3A = vector.broadcast %select_n3A : vector<512x1xf32> to vector<512x128xf32>
    %div3A_14 = arith.divf %add3A, %div3A : vector<512x128xf32>
    %get3A_15 = arith.constant 0 : index
    %get3A_16 = arith.constant 0 : index
    %get3A_17 = vector.load %arg4[%get3A_15, %get3A_16] : memref<128x128xf32, #tpu.memory_space<vmem>>, vector<128x128xf32>
    %dot_general3A = arith.constant dense<0.000000e+00> : vector<512x128xf32>
    %dot_general3A_18 = tpu.matmul %div3A_14, %get3A_17, %dot_general3A {dimension_numbers = #tpu.dot_dimension_numbers<[1], [0], [0], [1], [0, 0, 1, 1], [], []>, transpose_lhs_hint = false} : vector<512x128xf32>, vector<128x128xf32>, vector<512x128xf32> -> vector<512x128xf32>
    %get3A_19 = arith.constant 0 : index
    %get3A_20 = arith.constant 0 : index
    %get3A_21 = vector.load %arg5[%get3A_19, %get3A_20] : memref<1x128xf32, #tpu.memory_space<vmem>>, vector<1x128xf32>
    %add3A_22 = vector.broadcast %get3A_21 : vector<1x128xf32> to vector<512x128xf32>
    %add3A_23 = arith.addf %dot_general3A_18, %add3A_22 : vector<512x128xf32>
    %get3A_24 = arith.constant 0 : index
    %get3A_25 = arith.constant 0 : index
    %get3A_26 = vector.load %arg3[%get3A_24, %get3A_25] : memref<512x128xf32, #tpu.memory_space<vmem>>, vector<512x128xf32>
    %get3A_27 = arith.constant 0 : index
    %get3A_28 = arith.constant 0 : index
    %get3A_29 = vector.load %arg6[%get3A_27, %get3A_28] : memref<128x128xf32, #tpu.memory_space<vmem>>, vector<128x128xf32>
    %dot_general3A_30 = arith.constant dense<0.000000e+00> : vector<512x128xf32>
    %dot_general3A_31 = tpu.matmul %get3A_26, %get3A_29, %dot_general3A_30 {dimension_numbers = #tpu.dot_dimension_numbers<[1], [0], [0], [1], [0, 0, 1, 1], [], []>, transpose_lhs_hint = false} : vector<512x128xf32>, vector<128x128xf32>, vector<512x128xf32> -> vector<512x128xf32>
    %get3A_32 = arith.constant 0 : index
    %get3A_33 = arith.constant 0 : index
    %get3A_34 = vector.load %arg7[%get3A_32, %get3A_33] : memref<128x128xf32, #tpu.memory_space<vmem>>, vector<128x128xf32>
    %dot_general3A_35 = arith.constant dense<0.000000e+00> : vector<512x128xf32>
    %dot_general3A_36 = tpu.matmul %add3A_23, %get3A_34, %dot_general3A_35 {dimension_numbers = #tpu.dot_dimension_numbers<[1], [0], [0], [1], [0, 0, 1, 1], [], []>, transpose_lhs_hint = false} : vector<512x128xf32>, vector<128x128xf32>, vector<512x128xf32> -> vector<512x128xf32>
    %add3A_37 = arith.addf %dot_general3A_31, %dot_general3A_36 : vector<512x128xf32>
    %get3A_38 = arith.constant 0 : index
    %get3A_39 = arith.constant 0 : index
    %get3A_40 = vector.load %arg8[%get3A_38, %get3A_39] : memref<1x128xf32, #tpu.memory_space<vmem>>, vector<1x128xf32>
    %add3A_41 = vector.broadcast %get3A_40 : vector<1x128xf32> to vector<512x128xf32>
    %add3A_42 = arith.addf %add3A_37, %add3A_41 : vector<512x128xf32>
    %max3A = arith.constant 0.000000e+00 : f32
    %max3A_43 = vector.broadcast %max3A : f32 to vector<512x128xf32>
    %max3A_44 = arith.maximumf %add3A_42, %max3A_43 : vector<512x128xf32>
    %get3A_45 = arith.constant 0 : index
    %get3A_46 = arith.constant 0 : index
    %get3A_47 = vector.load %arg9[%get3A_45, %get3A_46] : memref<128x128xf32, #tpu.memory_space<vmem>>, vector<128x128xf32>
    %dot_general3A_48 = arith.constant dense<0.000000e+00> : vector<512x128xf32>
    %dot_general3A_49 = tpu.matmul %max3A_44, %get3A_47, %dot_general3A_48 {dimension_numbers = #tpu.dot_dimension_numbers<[1], [0], [0], [1], [0, 0, 1, 1], [], []>, transpose_lhs_hint = false} : vector<512x128xf32>, vector<128x128xf32>, vector<512x128xf32> -> vector<512x128xf32>
    %get3A_50 = arith.constant 0 : index
    %get3A_51 = arith.constant 0 : index
    %get3A_52 = vector.load %arg10[%get3A_50, %get3A_51] : memref<1x128xf32, #tpu.memory_space<vmem>>, vector<1x128xf32>
    %add3A_53 = vector.broadcast %get3A_52 : vector<1x128xf32> to vector<512x128xf32>
    %add3A_54 = arith.addf %dot_general3A_49, %add3A_53 : vector<512x128xf32>
    %add3A_55 = arith.addf %get3A_26, %add3A_54 : vector<512x128xf32>
    %max3A_56 = arith.constant 0.000000e+00 : f32
    %max3A_57 = vector.broadcast %max3A_56 : f32 to vector<512x128xf32>
    %max3A_58 = arith.maximumf %add3A_55, %max3A_57 : vector<512x128xf32>
    %get3A_59 = arith.constant 0 : index
    %get3A_60 = arith.constant 0 : index
    %get3A_61 = vector.load %arg11[%get3A_59, %get3A_60] : memref<128x64xf32, #tpu.memory_space<vmem>>, vector<128x64xf32>
    %dot_general3A_62 = arith.constant dense<0.000000e+00> : vector<512x64xf32>
    %dot_general3A_63 = tpu.matmul %max3A_58, %get3A_61, %dot_general3A_62 {dimension_numbers = #tpu.dot_dimension_numbers<[1], [0], [0], [1], [0, 0, 1, 1], [], []>, transpose_lhs_hint = false} : vector<512x128xf32>, vector<128x64xf32>, vector<512x64xf32> -> vector<512x64xf32>
    %get3A_64 = arith.constant 0 : index
    %get3A_65 = arith.constant 0 : index
    %get3A_66 = vector.load %arg12[%get3A_64, %get3A_65] : memref<1x64xf32, #tpu.memory_space<vmem>>, vector<1x64xf32>
    %add3A_67 = vector.broadcast %get3A_66 : vector<1x64xf32> to vector<512x64xf32>
    %add3A_68 = arith.addf %dot_general3A_63, %add3A_67 : vector<512x64xf32>
    %max3A_69 = arith.constant 0.000000e+00 : f32
    %max3A_70 = vector.broadcast %max3A_69 : f32 to vector<512x64xf32>
    %max3A_71 = arith.maximumf %add3A_68, %max3A_70 : vector<512x64xf32>
    %get3A_72 = arith.constant 0 : index
    %get3A_73 = arith.constant 0 : index
    %get3A_74 = vector.load %arg13[%get3A_72, %get3A_73] : memref<64x1xf32, #tpu.memory_space<vmem>>, vector<64x1xf32>
    %dot_general3A_75 = arith.constant dense<0.000000e+00> : vector<512x1xf32>
    %dot_general3A_76 = tpu.matmul %max3A_71, %get3A_74, %dot_general3A_75 {dimension_numbers = #tpu.dot_dimension_numbers<[1], [0], [0], [1], [0, 0, 1, 1], [], []>, transpose_lhs_hint = false} : vector<512x64xf32>, vector<64x1xf32>, vector<512x1xf32> -> vector<512x1xf32>
    %get3A_77 = arith.constant 0 : index
    %get3A_78 = arith.constant 0 : index
    %get3A_79 = vector.load %arg14[%get3A_77, %get3A_78] : memref<1x1xf32, #tpu.memory_space<vmem>>, vector<1x1xf32>
    %add3A_80 = vector.broadcast %get3A_79 : vector<1x1xf32> to vector<512x1xf32>
    %add3A_81 = arith.addf %dot_general3A_76, %add3A_80 : vector<512x1xf32>
    %swap3A = arith.constant 0 : index
    %swap3A_82 = arith.constant 0 : index
    %swap3A_83 = vector.load %arg15[%swap3A, %swap3A_82] : memref<512x1xf32, #tpu.memory_space<vmem>>, vector<512x1xf32>
    tpu.vector_store %arg15[%swap3A, %swap3A_82], %add3A_81 {strides = array<i32>} : memref<512x1xf32, #tpu.memory_space<vmem>>, vector<512x1xf32>,
    return
  }
  func.func @transform_0(%arg0: i32) -> (i32, i32, i32) {
    %c0_i32 = arith.constant 0 : i32
    %c0_i32_0 = arith.constant 0 : i32
    %c0_i32_1 = arith.constant 0 : i32
    return %c0_i32, %arg0, %c0_i32_0 : i32, i32, i32
  }
  func.func @transform_1(%arg0: i32) -> (i32, i32) {
    %c0_i32 = arith.constant 0 : i32
    %c0_i32_0 = arith.constant 0 : i32
    return %arg0, %c0_i32 : i32, i32
  }
  func.func @transform_2(%arg0: i32) -> (i32, i32) {
    %c0_i32 = arith.constant 0 : i32
    %c0_i32_0 = arith.constant 0 : i32
    return %arg0, %c0_i32 : i32, i32
  }
  func.func @transform_3(%arg0: i32) -> (i32, i32) {
    %c0_i32 = arith.constant 0 : i32
    %c0_i32_0 = arith.constant 0 : i32
    %c0_i32_1 = arith.constant 0 : i32
    return %c0_i32, %c0_i32_0 : i32, i32
  }
  func.func @transform_4(%arg0: i32) -> (i32, i32) {
    %c0_i32 = arith.constant 0 : i32
    %c0_i32_0 = arith.constant 0 : i32
    %c0_i32_1 = arith.constant 0 : i32
    return %c0_i32, %c0_i32_0 : i32, i32
  }
  func.func @transform_5(%arg0: i32) -> (i32, i32) {
    %c0_i32 = arith.constant 0 : i32
    %c0_i32_0 = arith.constant 0 : i32
    %c0_i32_1 = arith.constant 0 : i32
    return %c0_i32, %c0_i32_0 : i32, i32
  }
  func.func @transform_6(%arg0: i32) -> (i32, i32) {
    %c0_i32 = arith.constant 0 : i32
    %c0_i32_0 = arith.constant 0 : i32
    %c0_i32_1 = arith.constant 0 : i32
    return %c0_i32, %c0_i32_0 : i32, i32
  }
  func.func @transform_7(%arg0: i32) -> (i32, i32) {
    %c0_i32 = arith.constant 0 : i32
    %c0_i32_0 = arith.constant 0 : i32
    %c0_i32_1 = arith.constant 0 : i32
    return %c0_i32, %c0_i32_0 : i32, i32
  }
  func.func @transform_8(%arg0: i32) -> (i32, i32) {
    %c0_i32 = arith.constant 0 : i32
    %c0_i32_0 = arith.constant 0 : i32
    %c0_i32_1 = arith.constant 0 : i32
    return %c0_i32, %c0_i32_0 : i32, i32
  }
  func.func @transform_9(%arg0: i32) -> (i32, i32) {
    %c0_i32 = arith.constant 0 : i32
    %c0_i32_0 = arith.constant 0 : i32
    %c0_i32_1 = arith.constant 0 : i32
    return %c0_i32, %c0_i32_0 : i32, i32
  }
  func.func @transform_10(%arg0: i32) -> (i32, i32) {
    %c0_i32 = arith.constant 0 : i32
    %c0_i32_0 = arith.constant 0 : i32
    %c0_i32_1 = arith.constant 0 : i32
    return %c0_i32, %c0_i32_0 : i32, i32
  }
  func.func @transform_11(%arg0: i32) -> (i32, i32) {
    %c0_i32 = arith.constant 0 : i32
    %c0_i32_0 = arith.constant 0 : i32
    %c0_i32_1 = arith.constant 0 : i32
    return %c0_i32, %c0_i32_0 : i32, i32
  }
  func.func @transform_12(%arg0: i32) -> (i32, i32) {
    %c0_i32 = arith.constant 0 : i32
    %c0_i32_0 = arith.constant 0 : i32
    %c0_i32_1 = arith.constant 0 : i32
    return %c0_i32, %c0_i32_0 : i32, i32
  }
  func.func @transform_13(%arg0: i32) -> (i32, i32) {
    %c0_i32 = arith.constant 0 : i32
    %c0_i32_0 = arith.constant 0 : i32
    %c0_i32_1 = arith.constant 0 : i32
    return %c0_i32, %c0_i32_0 : i32, i32
  }
  func.func @transform_14(%arg0: i32) -> (i32, i32) {
    %c0_i32 = arith.constant 0 : i32
    %c0_i32_0 = arith.constant 0 : i32
    return %arg0, %c0_i32 : i32, i32
  }
}

</mosaic_0001>

<sc_bundles>
// kernel: kernel.10.cloned.1.call-start
scs
__scs_entry_jumppad:
0x0: {  	(pc) =	sbr.rel $0x88, $3  }
0x1: {  	(tag) =	ssettag $0x0;
	lr =	simm.s32 $0x1  }
0x2: {  	[smem:$0x3F8E] =	sst lr;
	_ =	strace $0xD0000000  }
0x3: {  	_ = 	snop  }
0x4: {  	_ = 	snop  }
0x5: {  	_ = 	snop  }
0x6: {  	_ = 	snop  }
0x7: {  	_ = 	snop  }
__scs_overlays_trampoline_lowered:
0x8: {  	[smem:$0x3F9D] =	sst s0  }
0x9: {  	[smem:$0x3F9E] =	sst s1  }
0xa: {  	[smem:$0x3F9F] =	sst s2  }
0xb: {  	[smem:$0x3FA0] =	sst s3  }
0xc: {  	[smem:$0x3FA1] =	sst s4  }
0xd: {  	[smem:$0x3FA2] =	sst s5  }
0xe: {  	[smem:$0x3FA3] =	sst s6  }
0xf: {  	[smem:$0x3FA4] =	sst s7  }
0x10: {  	[smem:$0x3FA5] =	sst s8  }
0x11: {  	[smem:$0x3FA6] =	sst s9;
	s0 =	simm.s32 @!p0 $0x0  }
0x12: {  	s1 =	sld [smem:$0x3F8C];
	s0 =	simm.s32 @p0 $0x1  }
0x13: {  	[smem:$0x3FA7] =	sst s0;
	s0 =	simm.s32 @!p1 $0x0  }
0x14: {  	s2 =	sld [smem:$0x3F8B];
	s0 =	simm.s32 @p1 $0x1  }
0x15: {  	[smem:$0x3FA8] =	sst s0;
	s0 =	simm.s32 @!p2 $0x0  }
0x16: {  	s3 =	sld [smem:$0x3FDB];
	s0 =	simm.s32 @p2 $0x1  }
0x17: {  	s4 =	simm.s32 $0x1BF5;
	[smem:$0x3FAA] =	sst s0  }
0x18: {  	s0 =	sld [smem:$0x3F8D];
	_ =	swait.ge [sflag:s4], $0x0  }
0x19: {  	s7 =	sld [smem:$0x3F8E]  }
0x1a: {  	s8 =	sadd.s32 $0xFFFFE003, lr  }
0x1b: {  	s9 =	sadd.s32 $0xFFFFFEF7, lr;
	s5 =	simm.s32 $0xFFFFFFFF;
	p2 =	slt.u32 s8, $0xFFFFF086  }
0x1c: {  	p1 =	slt.u32 s9, $0xF7A;
	s5 =	simm.s32 @!p2 $0x0  }
0x1d: {  	s5 =	simm.s32 @p1 $0x1;
	p0 =	seq.s32 s7, s2  }
0x1e: {  	s7 =	smul.u32 @!p0 $0xF7A, s2;
	p2 =	seq.s32 @!p0 s5, $0x0  }
0x1f: {  	s9 =	smul.u32 $0xF7A, s1;
	s8 =	simm.s32 @!p0 $0x1BF5;
	p2 =	por !p2, p0  }
0x20: {  	[sflag:s8] =	ssyncset.s32 @!p0 $0xFFFFF086;
	s6 =	sadd.s32 @!p0 s3, s7;
	s7 =	simm.s32 @!p0 $0x108  }
0x21: {  	s3 =	sadd.s32 s3, s9;
	s6 =	sadd.s32 @!p0 $0x88, s6;
	s7 =	simm.s32 @p2 $0x1082  }
0x22: {  	[simem:s7], [sflag:s8] =	dma.local @!p0 [hbm:s6], $0xF7A  }
0x23: {  	s9 =	sor.u32 $0xD0000000, s2;
	s6 =	simm.s32 $0x108;
	_ =	swait.ge @!p0 [sflag:s8], $0x0  }
0x24: {  	s3 =	sadd.s32 $0x88, s3;
	s6 =	simm.s32 @!p1 $0x1082;
	[sflag:s4] =	ssyncset.s32 $0xFFFFF086  }
0x25: {  	[simem:s6], [sflag:s4] =	dma.local [hbm:s3], $0xF7A  }
0x26: {  	[smem:$0x3F8E] =	sst s1;
	(tag) =	ssettag s2;
	_ =	strace s9  }
0x27: {  	s1 =	sld [smem:$0x3F9E]  }
0x28: {  	s2 =	sld [smem:$0x3F9F]  }
0x29: {  	s4 =	sld [smem:$0x3FA1]  }
0x2a: {  	p0 =	seq.s32 s5, $0x0;
	s5 =	sld [smem:$0x3FA2]  }
0x2b: {  	s6 =	sld [smem:$0x3FA3]  }
0x2c: {  	s7 =	sld [smem:$0x3FA4]  }
0x2d: {  	s3 =	simm.s32 $0x108;
	s8 =	sld [smem:$0x3FA5]  }
0x2e: {  	s3 =	simm.s32 @!p0 $0x1082;
	s9 =	sld [smem:$0x3FA6]  }
0x2f: {  	lr =	sadd.s32 s0, s3;
	s0 =	sld [smem:$0x3F9D]  }
0x30: {  	s3 =	sld [smem:$0x3FA0]  }
0x31: {  	[smem:$0x3FA9] =	sst s10  }
0x32: {  	s10 =	sld [smem:$0x3FA7];
	_ =	sdelay $0x3  }
0x33: {  	p0 =	seq.s32 s10, $0x1;
	s10 =	sld [smem:$0x3FA9];
	_ =	sdelay $0x3  }
0x34: {  	[smem:$0x3FA9] =	sst s10  }
0x35: {  	s10 =	sld [smem:$0x3FA8];
	_ =	sdelay $0x3  }
0x36: {  	p1 =	seq.s32 s10, $0x1;
	s10 =	sld [smem:$0x3FA9];
	_ =	sdelay $0x3  }
0x37: {  	[smem:$0x3FA9] =	sst s10  }
0x38: {  	s10 =	sld [smem:$0x3FAA]  }
0x39: {  	_ = 	snop;
	(pc) =	sbr.ind lr, $3  }
0x3a: {  	_ = 	snop  }
0x3b: {  	_ = 	snop  }
0x3c: {  	p2 =	seq.s32 s10, $0x1;
	s10 =	sld [smem:$0x3FA9]  }
0x3d: {  	_ =	shalt  }
0x3e: {  	_ =	shalt  }
0x3f: {  	_ =	shalt  }
0x40: {  	_ =	shalt  }
0x41: {  	_ =	shalt  }
0x42: {  	_ =	shalt  }
0x43: {  	_ =	shalt  }
0x44: {  	_ =	shalt  }
0x45: {  	_ =	shalt  }
0x46: {  	_ =	shalt  }
0x47: {  	_ =	shalt  }
0x48: {  	_ =	shalt  }
0x49: {  	_ =	shalt  }
0x4a: {  	_ =	shalt  }
0x4b: {  	_ =	shalt  }
0x4c: {  	_ =	shalt  }
0x4d: {  	_ =	shalt  }
0x4e: {  	_ =	shalt  }
0x4f: {  	_ =	shalt  }
0x50: {  	_ =	shalt  }
0x51: {  	_ =	shalt  }
0x52: {  	_ =	shalt  }
0x53: {  	_ =	shalt  }
0x54: {  	_ =	shalt  }
0x55: {  	_ =	shalt  }
0x56: {  	_ =	shalt  }
0x57: {  	_ =	shalt  }
0x58: {  	_ =	shalt  }
0x59: {  	_ =	shalt  }
0x5a: {  	_ =	shalt  }
0x5b: {  	_ =	shalt  }
0x5c: {  	_ =	shalt  }
0x5d: {  	_ =	shalt  }
0x5e: {  	_ =	shalt  }
0x5f: {  	_ =	shalt  }
0x60: {  	_ =	shalt  }
0x61: {  	_ =	shalt  }
0x62: {  	_ =	shalt  }
0x63: {  	_ =	shalt  }
0x64: {  	_ =	shalt  }
0x65: {  	_ =	shalt  }
0x66: {  	_ =	shalt  }
0x67: {  	_ =	shalt  }
0x68: {  	_ =	shalt  }
0x69: {  	_ =	shalt  }
0x6a: {  	_ =	shalt  }
0x6b: {  	_ =	shalt  }
0x6c: {  	_ =	shalt  }
0x6d: {  	_ =	shalt  }
0x6e: {  	_ =	shalt  }
0x6f: {  	_ =	shalt  }
0x70: {  	_ =	shalt  }
0x71: {  	_ =	shalt  }
0x72: {  	_ =	shalt  }
0x73: {  	_ =	shalt  }
0x74: {  	_ =	shalt  }
0x75: {  	_ =	shalt  }
0x76: {  	_ =	shalt  }
0x77: {  	_ =	shalt  }
0x78: {  	_ =	shalt  }
0x79: {  	_ =	shalt  }
0x7a: {  	_ =	shalt  }
0x7b: {  	_ =	shalt  }
0x7c: {  	_ =	shalt  }
0x7d: {  	_ =	shalt  }
0x7e: {  	_ =	shalt  }
0x7f: {  	_ =	shalt  }
0x80: {  	_ =	shalt  }
0x81: {  	_ =	shalt  }
0x82: {  	_ =	shalt  }
0x83: {  	_ =	shalt  }
0x84: {  	_ =	shalt  }
0x85: {  	_ =	shalt  }
0x86: {  	_ =	shalt  }
0x87: {  	_ =	shalt  }
.Lfunc_end0:
.L_simem_size_0:
called_computation_lowered:
.L_overlay_start_0:
0x88: {  	s2 =	sld [smem:$0x3FD9]  }
0x89: {  	s3 =	sld [smem:$0x3FFE];
	_ =	sdelay $0x1  }
0x8a: {  	s1 =	srdreg.scid  }
0x8b: {  	s0 =	sand.u32 $0x1, s1  }
0x8c: {  	s16 =	sshll.u32 s0, $0xA;
	s2 =	sadd.s32 s3, s2  }
0x8d: {  	s2 =	sadd.s32 s2, s16  }
0x8e: {  	[smem:$0x3FB5] =	sst s2  }
0x8f: {  	_ = 	snop  }
0x90: {  	(tm) =	ssettm $0x1  }
0x91: {  	s17 =	sld [smem:$0x3FFB];
	_ =	sdelay $0x3  }
0x92: {  	_ =	strace s17  }
0x93: {  	s2 =	sld [smem:$0x3FFC];
	_ =	sdelay $0x3  }
0x94: {  	_ =	strace s2  }
0x95: {  	s2 =	sld [smem:$0x3FFD];
	_ =	sdelay $0x3  }
0x96: {  	_ =	strace s2  }
0x97: {  	_ =	strace $0x8FFFFFFF  }
0x98: {  	s18 =	sld [smem:$0x3FDB];
	_ =	sdelay $0x1  }
0x99: {  	s19 =	simm.s32 $_scs_section_size  }
0x9a: {  	s4 =	simm.s32 $_size__tile_overlayer_lowered;
	s5 =	simm.s32 $_tile_overlayer_lowered  }
0x9b: {  	s22 =	simm.s32 $0x1BFF;
	s21 =	sshll.u32 s5, $0x1;
	s2 =	sadd.s32 s19, s18  }
0x9c: {  	s6 =	simm.s32 $0x0;
	s20 =	sshll.u32 s4, $0x1;
	s4 =	sadd.s32 s21, s2  }
0x9d: {  	[timem:s6], [sflag:s22] =	dma.local [hbm:s4], s20  }
0x9e: {  	_ =	swait.ge [sflag:s22], s20  }
0x9f: {  	s3 =	ssub.s32 $0x0, s20;
	[sflag:s22] =	ssyncset.done $0x0  }
0xa0: {  	[sflag:s22] =	ssyncadd.s32 s3;
	_ =	sdelay $0x1  }
0xa1: {  	s23 =	simm.s32 $0x1B8B  }
0xa2: {  	_ =	swait.ge [sflag:s23], $0x1  }
0xa3: {  	[sflag:s23] =	ssyncset.done $0x0  }
0xa4: {  	s25 =	simm.s32 $0x1B8E;
	s24 =	sld [smem:$0x3FFE];
	[sflag:s23] =	ssyncadd.s32 $0xFFFFFFFF  }
0xa5: {  	s26 =	simm.s32 $execute0_lowered;
	[smem:$0x3FD2] =	sst s25  }
0xa6: {  	s4 =	sshll.u32 s26, $0x1;
	_ =	strace $0x80000046;
	[dreg:$0x1] =	wrdreg $0xFFFFFFFF  }
0xa7: {  	s28 =	simm.s32 $_size_execute0_lowered;
	s2 =	sadd.s32 s2, s4;
	[dreg:$0x0] =	wrdreg $0x0  }
0xa8: {  	s4 =	sshll.u32 s28, $0x1;
	[dreg:$0x2] =	wrdreg s2  }
0xa9: {  	[dreg:$0x3] =	wrdreg s4  }
0xaa: {  	[dreg:$0x4] =	wrdreg $0xC0  }
0xab: {  	_ =	task [dreg:s6], $0x5FFFF  }
0xac: {  	[dreg:$0x1] =	wrdreg $0xFFFFFFFF  }
0xad: {  	[dreg:$0x0] =	wrdreg $0x60  }
0xae: {  	[dreg:$0x2] =	wrdreg s24  }
0xaf: {  	[dreg:$0x3] =	wrdreg $0x0  }
0xb0: {  	[dreg:$0x4] =	wrdreg $0x9  }
0xb1: {  	_ =	task.clear_ibuf [dreg:s6], $0x5FFFF;
	_ =	strace $0x90000046  }
0xb2: {  	s29 =	simm.s32 $0x9;
	_ =	strace $0x80000048  }
0xb3: {  	_ =	swait.ge [sflag:s29], $0x1  }
0xb4: {  	[sflag:s29] =	ssyncadd.s32 $0xFFFFFFFF  }
0xb5: {  	_ =	strace $0x90000048  }
0xb6: {  	_ =	sfence  }
0xb7: {  	s30 =	sld [smem:$0x0];
	_ =	sdelay $0x2  }
0xb8: {  	s31 =	sshll.u32 s1, $0xD;
	s1 =	sshrl.u32 s1, $0x2  }
0xb9: {  	s3 =	sand.u32 $0x4000, s31;
	s1 =	sadd.s32 s1, s30  }
0xba: {  	s0 =	sor.u32 s3, s0;
	s1 =	sshll.u32 s1, $0x11  }
0xbb: {  	s0 =	sor.u32 s1, s0  }
0xbc: {  	s0 =	sadd.s32 $0x8F2B, s0  }
0xbd: {  	[sflag:s0] =	ssyncadd.remote.s32 $0x1  }
0xbe: {  	_ =	sfence.sel $0xFFFF  }
0xbf: {  	[dreg:$0x0] =	wrdreg $0xFFFFFFFF;
	(pc) =	sbr.abs _section_cstart, $3  }
0xc0: {  	[dreg:$0x1] =	wrdreg $0xFFFFFFFF  }
0xc1: {  	_ =	task.clear_ibuf [dreg:s6], $0x2FFFF;
	_ =	strace $0x9FFFFFFF  }
0xc2: {  	(tm) =	ssettm $0x7FFFFFFF  }
0xc3: {  	_ =	shalt  }
tec
execute0_lowered:
.L_overlay_start_1:
0x0: {  	(tag) =	ssettag $0x1  }
0x1: {  	s8 =	rddreg [dreg:$0x0]  }
0x2: {  	s1 =	rddreg [dreg:$0x1]  }
0x3: {  	s2 =	srdreg.scid;
	s0 =	rddreg [dreg:$0x2];
	s3 =	simm.s32 $0x0  }
0x4: {  	s16 =	simm.s32 $0x14100;
	s17 =	simm.s32 $0x2;
	s18 =	simm.s32 $0x14000  }
0x5: {  	s19 =	simm.s32 $0x14080;
	s20 =	simm.s32 $0x80;
	s21 =	simm.s32 $0x1  }
0x6: {  	s22 =	simm.s32 $0x18100;
	s9 =	sand.u32 $0x1, s2;
	s2 =	stileid.u32  }
0x7: {  	s23 =	simm.s32 $0x0;
	[smem:$0x7FF] =	sst s3;
	s6 =	smul.u32 $0x140000, s9  }
0x8: {  	s4 =	sadd.s32 $0x1D600, s8;
	s5 =	sadd.s32 $0xEF3A00, s8;
	s7 =	smul.u32 $0x14000, s2  }
0x9: {  	s11 =	smul.u32 $0x50000, s2;
	s30 =	ssub.s32 $0x2, s9;
	s12 =	sshll.u32 s2, $0x1  }
0xa: {  	_ =	strace $0x80000047;
	s31 =	sshrl.u32 s30, $0x1;
	s13 =	sor.u32 s9, s12  }
0xb: {  	s7 =	sadd.s32 s7, s6;
	s6 =	sadd.s32 $0x9A00, s8;
	s11 =	sshrl.u32 s11, $0x2  }
0xc: {  	s15 =	ssub.s32 s30, s31;
	s13 =	smul.u32 $0x2780, s13;
	s10 =	sshrl.u32 s7, $0x3  }
0xd: {  	s7 =	sadd.s32 $0x13800, s8;
	s14 =	sadd.s32 s10, s8;
	s8 =	sadd.s32 s11, s1  }
0xe: {  	s15 =	smax.u32 s15, $0x1;
	s9 =	sadd.s32 $0x4000, s8;
	s10 =	sadd.s32 $0x8000, s8  }
0xf: {  	v0 =	vimm.f32 $0.0e+00;
	s11 =	sadd.s32 $0xC000, s8;
	s12 =	sadd.s32 $0x10000, s8;
	s14 =	sadd.s32 $0x6D600, s14  }
.LBB2_1:
0x10: {  	s24 =	sand.u32 $0xFE00, s3  }
0x11: {  	s25 =	sand.u32 $0x70, s3;
	s26 =	sshrl.u32 s24, $0x2  }
0x12: {  	s24 =	simm.s32 $0x40;
	s26 =	sor.u32 s25, s26;
	s25 =	simm.s32 $0x0  }
.LBB2_2:
0x13: {  	p0 =	sne.s32 s24, $0xFFC0  }
0x14: {  	[tilespmem:s26+$0x14100] =	vst v0;
	s25 =	sadd.s32 $0x10, s25;
	s26 =	smov.u32 s24;
	s24 =	sadd.s32 $0x40, s24  }
.Ltmp0:
0x15: {  	(pc) =	sbr.rel @p0 .LBB2_2-.Ltmp0, $4  }
0x16: {  	_ = 	snop  }
0x17: {  	s26 =	sand.u32 $0xFE00, s26  }
0x18: {  	s28 =	sand.u32 $0x70, s25;
	s26 =	sshrl.u32 s26, $0x2  }
0x19: {  	s26 =	sor.u32 s28, s26  }
0x1a: {  	[tilespmem:s26+$0x14100] =	vst v0  }
0x1b: {  	[spmem:s8] =	stream.linear.scatter [tilespmem:s16], [sflag:$0x2], $0x4000, $0x38;
	[tilespmem:$0x1C100] =	vst v63  }
0x1c: {  	_ =	swait.ge [sflag:s17], $0x4000  }
0x1d: {  	[sflag:s17] =	ssyncset.done $0x0  }
0x1e: {  	[sflag:s17] =	ssyncadd.s32 $0xFFFFC000  }
0x1f: {  	[spmem:s9] =	stream.linear.scatter [tilespmem:s16], [sflag:$0x2], $0x4000, $0x38;
	[tilespmem:$0x1C100] =	vst v63  }
0x20: {  	_ =	swait.ge [sflag:s17], $0x4000  }
0x21: {  	[sflag:s17] =	ssyncset.done $0x0  }
0x22: {  	[sflag:s17] =	ssyncadd.s32 $0xFFFFC000  }
0x23: {  	[spmem:s10] =	stream.linear.scatter [tilespmem:s16], [sflag:$0x2], $0x4000, $0x38;
	[tilespmem:$0x1C100] =	vst v63  }
0x24: {  	_ =	swait.ge [sflag:s17], $0x4000  }
0x25: {  	[sflag:s17] =	ssyncset.done $0x0  }
0x26: {  	[sflag:s17] =	ssyncadd.s32 $0xFFFFC000  }
0x27: {  	[spmem:s11] =	stream.linear.scatter [tilespmem:s16], [sflag:$0x2], $0x4000, $0x38;
	[tilespmem:$0x1C100] =	vst v63  }
0x28: {  	_ =	swait.ge [sflag:s17], $0x4000  }
0x29: {  	[sflag:s17] =	ssyncset.done $0x0  }
0x2a: {  	[sflag:s17] =	ssyncadd.s32 $0xFFFFC000  }
0x2b: {  	[spmem:s12] =	stream.linear.scatter [tilespmem:s16], [sflag:$0x2], $0x4000, $0x38;
	[tilespmem:$0x1C100] =	vst v63  }
0x2c: {  	_ =	swait.ge [sflag:s17], $0x4000  }
0x2d: {  	[sflag:s17] =	ssyncset.done $0x0  }
0x2e: {  	[sflag:s17] =	ssyncadd.s32 $0xFFFFC000  }
0x2f: {  	s24 =	simm.s32 $0x0;
	s25 =	simm.s32 $0x0;
	[bflag:$0x0] =	sbarrier.arrive $0xFFFF  }
.LBB2_4:
0x30: {  	s26 =	sshll.u32 s25, $0x7  }
0x31: {  	s26 =	sadd.s32 s13, s26  }
0x32: {  	s28 =	sshrl.u32 s26, $0x3  }
0x33: {  	s29 =	sadd.s32 s6, s28  }
0x34: {  	[tilespmem:s18], [sflag:$0x2] =	stream.linear.gather [hbm4b:s29+s24], $0x80, $0x38;
	[tilespmem:$0x1C100] =	vst v63  }
0x35: {  	_ =	swait.ge [sflag:s17], $0x80  }
0x36: {  	[sflag:s17] =	ssyncset.done $0x0  }
0x37: {  	s28 =	sadd.s32 s7, s28;
	[sflag:s17] =	ssyncadd.s32 $0xFFFFFF80  }
0x38: {  	[tilespmem:s19], [sflag:$0x2] =	stream.linear.gather [hbm4b:s28+s24], $0x80, $0x38;
	[tilespmem:$0x1C100] =	vst v63  }
0x39: {  	_ =	swait.ge [sflag:s17], $0x80  }
0x3a: {  	[sflag:s17] =	ssyncset.done $0x0  }
0x3b: {  	[sflag:s17] =	ssyncadd.s32 $0xFFFFFF80  }
0x3c: {  	[tilespmem:s16], [sflag:$0x1] =	stream.indirect.gather [hbm4b:s4+s20], $0x80, s18, s20, $0xb8;
	[tilespmem:$0x1C100] =	vst v63  }
0x3d: {  	_ =	swait.ge [sflag:s21], $0x4000  }
0x3e: {  	s26 =	sshll.u32 s26, $0x4;
	[sflag:s21] =	ssyncset.done $0x0  }
0x3f: {  	s26 =	sadd.s32 s5, s26;
	[sflag:s21] =	ssyncadd.s32 $0xFFFFC000  }
0x40: {  	[tilespmem:s22], [sflag:$0x2] =	stream.linear.gather [hbm4b:s26+s24], $0x4000, $0x38;
	[tilespmem:$0x1C100] =	vst v63  }
0x41: {  	_ =	swait.ge [sflag:s17], $0x4000  }
0x42: {  	[sflag:s17] =	ssyncset.done $0x0  }
0x43: {  	s26 =	simm.s32 $0x0;
	[sflag:s17] =	ssyncadd.s32 $0xFFFFC000  }
0x44: {  	s28 =	simm.s32 $0x40;
	v1 =	vld [tilespmem:s26+$0x14100]  }
.LBB2_5:
0x45: {  	p0 =	sne.s32 s28, $0xFFC0;
	v2 =	vld [tilespmem:s26+$0x18100];
	_ =	sdelay $0x3  }
.Ltmp1:
0x46: {  	(pc) =	sbr.rel @p0 .LBB2_5-.Ltmp1, $3  }
0x47: {  	v1 =	vadd.f32 v2, v1;
	_ =	sdelay $0x1  }
0x48: {  	s29 =	sshra.s32 s28, $0x2;
	v2 =	vmax.f32 v1, $0.0e+00  }
0x49: {  	s28 =	sadd.s32 $0x40, s28;
	v1 =	vld [tilespmem:s29+$0x14100];
	[tilespmem:s26+$0x18100] =	vst v2;
	s26 =	smov.u32 s29  }
0x4a: {  	v2 =	vld [tilespmem:s26+$0x18100];
	_ =	sdelay $0x4  }
0x4b: {  	v1 =	vadd.f32 v2, v1  }
0x4c: {  	s25 =	sadd.s32 $0x1, s25  }
0x4d: {  	p0 =	sne.s32 s25, $0x4F;
	v1 =	vmax.f32 v1, $0.0e+00  }
.Ltmp2:
0x4e: {  	[tilespmem:s26+$0x18100] =	vst v1;
	(pc) =	sbr.rel @p0 .LBB2_4-.Ltmp2, $4  }
0x4f: {  	[spmem:s1] =	stream.indirect.scatter.add.f32 [tilespmem:s22], [sflag:$0x2], $0x80, s19, s20, $0xb8;
	[tilespmem:$0x1C100] =	vst v63  }
0x50: {  	_ =	swait.ge [sflag:s17], $0x4000  }
0x51: {  	[sflag:s17] =	ssyncset.done $0x0  }
0x52: {  	[sflag:s17] =	ssyncadd.s32 $0xFFFFC000  }
0x53: {  	s23 =	sadd.s32 $0x1, s23  }
0x54: {  	s24 =	sshll.u32 s2, $0x6;
	[bflag:$0x0] =	sbarrier.arrive $0xFFFF;
	p0 =	sne.s32 s23, s15  }
.Ltmp3:
0x55: {  	s25 =	sshrl.u32 s8, $0x3;
	s24 =	sor.u32 $0x1C02, s24;
	(pc) =	sbr.rel @p0 .LBB2_1-.Ltmp3, $4  }
0x56: {  	[hbm:s14], [sflag:s24] =	dma.local [spmem:s25], $0x2800  }
0x57: {  	_ =	swait.ge [sflag:s17], $0x2800  }
0x58: {  	[sflag:s17] =	ssyncset.done $0x0  }
0x59: {  	[sflag:s17] =	ssyncadd.s32 $0xFFFFD800  }
0x5a: {  	_ =	sfence.sel $0x180000  }
0x5b: {  	[bflag:$0x0] =	sbarrier.arrive $0xFFFF  }
0x5c: {  	p0 =	sne.s32 s2, $0x0;
	_ =	strace $0x90000047  }
0x5d: {  	s0 =	sadd.s32 @!p0 $0x100000, s0;
	[bflag:$0x2] =	sbarrier.arrive $0xFFFF  }
0x5e: {  	[sflag:s0] =	ssyncadd.tile.s32 @!p0 $0x1;
	_ =	shalt  }
.Lfunc_end2:
_tile_overlayer_lowered:
.L_overlay_start_2:
0x5f: {  	(tag) =	ssettag $0x2  }
0x60: {  	s0 =	rddreg [dreg:$0x0];
	s2 =	stileid.u32  }
0x61: {  	s1 =	rddreg [dreg:$0x1];
	p0 =	sne.s32 s2, $0x0  }
0x62: {  	s3 =	rddreg [dreg:$0x2];
	[bflag:$0x3] =	sbarrier.arrive $0xFFFF;
	s2 =	simm.s32 @!p0 $0x1C02  }
0x63: {  	[timem:s3], [sflag:s2] =	dma.local @!p0 [hbm:s0], s1  }
0x64: {  	s0 =	simm.s32 @!p0 $0x2  }
0x65: {  	_ =	swait.ge @!p0 [sflag:s0], s1  }
0x66: {  	s1 =	ssub.s32 @!p0 $0x0, s1;
	[sflag:s0] =	ssyncset.done @!p0 $0x0  }
0x67: {  	[sflag:s0] =	ssyncadd.s32 @!p0 s1  }
0x68: {  	[bflag:$0x3] =	sbarrier.arrive $0xFFFF  }
0x69: {  	_ =	shalt  }

// kernel: kernel.13.cloned.1.call-start
scs
__scs_entry_jumppad:
0x0: {  	(pc) =	sbr.rel $0x88, $3  }
0x1: {  	(tag) =	ssettag $0x0;
	lr =	simm.s32 $0x1  }
0x2: {  	[smem:$0x3F8E] =	sst lr;
	_ =	strace $0xD0000000  }
0x3: {  	_ = 	snop  }
0x4: {  	_ = 	snop  }
0x5: {  	_ = 	snop  }
0x6: {  	_ = 	snop  }
0x7: {  	_ = 	snop  }
__scs_overlays_trampoline_lowered:
0x8: {  	[smem:$0x3F9D] =	sst s0  }
0x9: {  	[smem:$0x3F9E] =	sst s1  }
0xa: {  	[smem:$0x3F9F] =	sst s2  }
0xb: {  	[smem:$0x3FA0] =	sst s3  }
0xc: {  	[smem:$0x3FA1] =	sst s4  }
0xd: {  	[smem:$0x3FA2] =	sst s5  }
0xe: {  	[smem:$0x3FA3] =	sst s6  }
0xf: {  	[smem:$0x3FA4] =	sst s7  }
0x10: {  	[smem:$0x3FA5] =	sst s8  }
0x11: {  	[smem:$0x3FA6] =	sst s9;
	s0 =	simm.s32 @!p0 $0x0  }
0x12: {  	s1 =	sld [smem:$0x3F8C];
	s0 =	simm.s32 @p0 $0x1  }
0x13: {  	[smem:$0x3FA7] =	sst s0;
	s0 =	simm.s32 @!p1 $0x0  }
0x14: {  	s2 =	sld [smem:$0x3F8B];
	s0 =	simm.s32 @p1 $0x1  }
0x15: {  	[smem:$0x3FA8] =	sst s0;
	s0 =	simm.s32 @!p2 $0x0  }
0x16: {  	s3 =	sld [smem:$0x3FDB];
	s0 =	simm.s32 @p2 $0x1  }
0x17: {  	s4 =	simm.s32 $0x1BF5;
	[smem:$0x3FAA] =	sst s0  }
0x18: {  	s0 =	sld [smem:$0x3F8D];
	_ =	swait.ge [sflag:s4], $0x0  }
0x19: {  	s7 =	sld [smem:$0x3F8E]  }
0x1a: {  	s8 =	sadd.s32 $0xFFFFE003, lr  }
0x1b: {  	s9 =	sadd.s32 $0xFFFFFEF7, lr;
	s5 =	simm.s32 $0xFFFFFFFF;
	p2 =	slt.u32 s8, $0xFFFFF086  }
0x1c: {  	p1 =	slt.u32 s9, $0xF7A;
	s5 =	simm.s32 @!p2 $0x0  }
0x1d: {  	s5 =	simm.s32 @p1 $0x1;
	p0 =	seq.s32 s7, s2  }
0x1e: {  	s7 =	smul.u32 @!p0 $0xF7A, s2;
	p2 =	seq.s32 @!p0 s5, $0x0  }
0x1f: {  	s9 =	smul.u32 $0xF7A, s1;
	s8 =	simm.s32 @!p0 $0x1BF5;
	p2 =	por !p2, p0  }
0x20: {  	[sflag:s8] =	ssyncset.s32 @!p0 $0xFFFFF086;
	s6 =	sadd.s32 @!p0 s3, s7;
	s7 =	simm.s32 @!p0 $0x108  }
0x21: {  	s3 =	sadd.s32 s3, s9;
	s6 =	sadd.s32 @!p0 $0x88, s6;
	s7 =	simm.s32 @p2 $0x1082  }
0x22: {  	[simem:s7], [sflag:s8] =	dma.local @!p0 [hbm:s6], $0xF7A  }
0x23: {  	s9 =	sor.u32 $0xD0000000, s2;
	s6 =	simm.s32 $0x108;
	_ =	swait.ge @!p0 [sflag:s8], $0x0  }
0x24: {  	s3 =	sadd.s32 $0x88, s3;
	s6 =	simm.s32 @!p1 $0x1082;
	[sflag:s4] =	ssyncset.s32 $0xFFFFF086  }
0x25: {  	[simem:s6], [sflag:s4] =	dma.local [hbm:s3], $0xF7A  }
0x26: {  	[smem:$0x3F8E] =	sst s1;
	(tag) =	ssettag s2;
	_ =	strace s9  }
0x27: {  	s1 =	sld [smem:$0x3F9E]  }
0x28: {  	s2 =	sld [smem:$0x3F9F]  }
0x29: {  	s4 =	sld [smem:$0x3FA1]  }
0x2a: {  	p0 =	seq.s32 s5, $0x0;
	s5 =	sld [smem:$0x3FA2]  }
0x2b: {  	s6 =	sld [smem:$0x3FA3]  }
0x2c: {  	s7 =	sld [smem:$0x3FA4]  }
0x2d: {  	s3 =	simm.s32 $0x108;
	s8 =	sld [smem:$0x3FA5]  }
0x2e: {  	s3 =	simm.s32 @!p0 $0x1082;
	s9 =	sld [smem:$0x3FA6]  }
0x2f: {  	lr =	sadd.s32 s0, s3;
	s0 =	sld [smem:$0x3F9D]  }
0x30: {  	s3 =	sld [smem:$0x3FA0]  }
0x31: {  	[smem:$0x3FA9] =	sst s10  }
0x32: {  	s10 =	sld [smem:$0x3FA7];
	_ =	sdelay $0x3  }
0x33: {  	p0 =	seq.s32 s10, $0x1;
	s10 =	sld [smem:$0x3FA9];
	_ =	sdelay $0x3  }
0x34: {  	[smem:$0x3FA9] =	sst s10  }
0x35: {  	s10 =	sld [smem:$0x3FA8];
	_ =	sdelay $0x3  }
0x36: {  	p1 =	seq.s32 s10, $0x1;
	s10 =	sld [smem:$0x3FA9];
	_ =	sdelay $0x3  }
0x37: {  	[smem:$0x3FA9] =	sst s10  }
0x38: {  	s10 =	sld [smem:$0x3FAA]  }
0x39: {  	_ = 	snop;
	(pc) =	sbr.ind lr, $3  }
0x3a: {  	_ = 	snop  }
0x3b: {  	_ = 	snop  }
0x3c: {  	p2 =	seq.s32 s10, $0x1;
	s10 =	sld [smem:$0x3FA9]  }
0x3d: {  	_ =	shalt  }
0x3e: {  	_ =	shalt  }
0x3f: {  	_ =	shalt  }
0x40: {  	_ =	shalt  }
0x41: {  	_ =	shalt  }
0x42: {  	_ =	shalt  }
0x43: {  	_ =	shalt  }
0x44: {  	_ =	shalt  }
0x45: {  	_ =	shalt  }
0x46: {  	_ =	shalt  }
0x47: {  	_ =	shalt  }
0x48: {  	_ =	shalt  }
0x49: {  	_ =	shalt  }
0x4a: {  	_ =	shalt  }
0x4b: {  	_ =	shalt  }
0x4c: {  	_ =	shalt  }
0x4d: {  	_ =	shalt  }
0x4e: {  	_ =	shalt  }
0x4f: {  	_ =	shalt  }
0x50: {  	_ =	shalt  }
0x51: {  	_ =	shalt  }
0x52: {  	_ =	shalt  }
0x53: {  	_ =	shalt  }
0x54: {  	_ =	shalt  }
0x55: {  	_ =	shalt  }
0x56: {  	_ =	shalt  }
0x57: {  	_ =	shalt  }
0x58: {  	_ =	shalt  }
0x59: {  	_ =	shalt  }
0x5a: {  	_ =	shalt  }
0x5b: {  	_ =	shalt  }
0x5c: {  	_ =	shalt  }
0x5d: {  	_ =	shalt  }
0x5e: {  	_ =	shalt  }
0x5f: {  	_ =	shalt  }
0x60: {  	_ =	shalt  }
0x61: {  	_ =	shalt  }
0x62: {  	_ =	shalt  }
0x63: {  	_ =	shalt  }
0x64: {  	_ =	shalt  }
0x65: {  	_ =	shalt  }
0x66: {  	_ =	shalt  }
0x67: {  	_ =	shalt  }
0x68: {  	_ =	shalt  }
0x69: {  	_ =	shalt  }
0x6a: {  	_ =	shalt  }
0x6b: {  	_ =	shalt  }
0x6c: {  	_ =	shalt  }
0x6d: {  	_ =	shalt  }
0x6e: {  	_ =	shalt  }
0x6f: {  	_ =	shalt  }
0x70: {  	_ =	shalt  }
0x71: {  	_ =	shalt  }
0x72: {  	_ =	shalt  }
0x73: {  	_ =	shalt  }
0x74: {  	_ =	shalt  }
0x75: {  	_ =	shalt  }
0x76: {  	_ =	shalt  }
0x77: {  	_ =	shalt  }
0x78: {  	_ =	shalt  }
0x79: {  	_ =	shalt  }
0x7a: {  	_ =	shalt  }
0x7b: {  	_ =	shalt  }
0x7c: {  	_ =	shalt  }
0x7d: {  	_ =	shalt  }
0x7e: {  	_ =	shalt  }
0x7f: {  	_ =	shalt  }
0x80: {  	_ =	shalt  }
0x81: {  	_ =	shalt  }
0x82: {  	_ =	shalt  }
0x83: {  	_ =	shalt  }
0x84: {  	_ =	shalt  }
0x85: {  	_ =	shalt  }
0x86: {  	_ =	shalt  }
0x87: {  	_ =	shalt  }
.Lfunc_end0:
.L_simem_size_0:
called_computation.1_lowered:
.L_overlay_start_0:
0x88: {  	s2 =	sld [smem:$0x3FD9]  }
0x89: {  	s3 =	sld [smem:$0x3FFE];
	_ =	sdelay $0x1  }
0x8a: {  	s1 =	srdreg.scid  }
0x8b: {  	s0 =	sand.u32 $0x1, s1  }
0x8c: {  	s16 =	sshll.u32 s0, $0xA;
	s2 =	sadd.s32 s3, s2  }
0x8d: {  	s2 =	sadd.s32 s2, s16  }
0x8e: {  	[smem:$0x3FB5] =	sst s2  }
0x8f: {  	_ = 	snop  }
0x90: {  	(tm) =	ssettm $0x1  }
0x91: {  	s17 =	sld [smem:$0x3FFB];
	_ =	sdelay $0x3  }
0x92: {  	_ =	strace s17  }
0x93: {  	s2 =	sld [smem:$0x3FFC];
	_ =	sdelay $0x3  }
0x94: {  	_ =	strace s2  }
0x95: {  	s2 =	sld [smem:$0x3FFD];
	_ =	sdelay $0x3  }
0x96: {  	_ =	strace s2  }
0x97: {  	_ =	strace $0x8FFFFFFF  }
0x98: {  	s18 =	sld [smem:$0x3FDB];
	_ =	sdelay $0x1  }
0x99: {  	s19 =	simm.s32 $_scs_section_size  }
0x9a: {  	s4 =	simm.s32 $_size__tile_overlayer_lowered;
	s5 =	simm.s32 $_tile_overlayer_lowered  }
0x9b: {  	s22 =	simm.s32 $0x1BFF;
	s21 =	sshll.u32 s5, $0x1;
	s2 =	sadd.s32 s19, s18  }
0x9c: {  	s6 =	simm.s32 $0x0;
	s20 =	sshll.u32 s4, $0x1;
	s4 =	sadd.s32 s21, s2  }
0x9d: {  	[timem:s6], [sflag:s22] =	dma.local [hbm:s4], s20  }
0x9e: {  	_ =	swait.ge [sflag:s22], s20  }
0x9f: {  	s3 =	ssub.s32 $0x0, s20;
	[sflag:s22] =	ssyncset.done $0x0  }
0xa0: {  	[sflag:s22] =	ssyncadd.s32 s3;
	_ =	sdelay $0x1  }
0xa1: {  	s23 =	simm.s32 $0x1B8B  }
0xa2: {  	_ =	swait.ge [sflag:s23], $0x1  }
0xa3: {  	[sflag:s23] =	ssyncset.done $0x0  }
0xa4: {  	s25 =	simm.s32 $0x1B8E;
	s24 =	sld [smem:$0x3FFE];
	[sflag:s23] =	ssyncadd.s32 $0xFFFFFFFF  }
0xa5: {  	s26 =	simm.s32 $execute0_lowered;
	[smem:$0x3FD2] =	sst s25  }
0xa6: {  	s4 =	sshll.u32 s26, $0x1;
	_ =	strace $0x80000049;
	[dreg:$0x1] =	wrdreg $0xFFFFFFFF  }
0xa7: {  	s28 =	simm.s32 $_size_execute0_lowered;
	s2 =	sadd.s32 s2, s4;
	[dreg:$0x0] =	wrdreg $0x0  }
0xa8: {  	s4 =	sshll.u32 s28, $0x1;
	[dreg:$0x2] =	wrdreg s2  }
0xa9: {  	[dreg:$0x3] =	wrdreg s4  }
0xaa: {  	[dreg:$0x4] =	wrdreg $0xC0  }
0xab: {  	_ =	task [dreg:s6], $0x5FFFF  }
0xac: {  	[dreg:$0x1] =	wrdreg $0xFFFFFFFF  }
0xad: {  	[dreg:$0x0] =	wrdreg $0x60  }
0xae: {  	[dreg:$0x2] =	wrdreg s24  }
0xaf: {  	[dreg:$0x3] =	wrdreg $0x0  }
0xb0: {  	[dreg:$0x4] =	wrdreg $0x9  }
0xb1: {  	_ =	task.clear_ibuf [dreg:s6], $0x5FFFF;
	_ =	strace $0x90000049  }
0xb2: {  	s29 =	simm.s32 $0x9;
	_ =	strace $0x8000004B  }
0xb3: {  	_ =	swait.ge [sflag:s29], $0x1  }
0xb4: {  	[sflag:s29] =	ssyncadd.s32 $0xFFFFFFFF  }
0xb5: {  	_ =	strace $0x9000004B  }
0xb6: {  	_ =	sfence  }
0xb7: {  	s30 =	sld [smem:$0x0];
	_ =	sdelay $0x2  }
0xb8: {  	s31 =	sshll.u32 s1, $0xD;
	s1 =	sshrl.u32 s1, $0x2  }
0xb9: {  	s3 =	sand.u32 $0x4000, s31;
	s1 =	sadd.s32 s1, s30  }
0xba: {  	s0 =	sor.u32 s3, s0;
	s1 =	sshll.u32 s1, $0x11  }
0xbb: {  	s0 =	sor.u32 s1, s0  }
0xbc: {  	s0 =	sadd.s32 $0x8F2B, s0  }
0xbd: {  	[sflag:s0] =	ssyncadd.remote.s32 $0x1  }
0xbe: {  	_ =	sfence.sel $0xFFFF  }
0xbf: {  	[dreg:$0x0] =	wrdreg $0xFFFFFFFF;
	(pc) =	sbr.abs _section_cstart, $3  }
0xc0: {  	[dreg:$0x1] =	wrdreg $0xFFFFFFFF  }
0xc1: {  	_ =	task.clear_ibuf [dreg:s6], $0x2FFFF;
	_ =	strace $0x9FFFFFFF  }
0xc2: {  	(tm) =	ssettm $0x7FFFFFFF  }
0xc3: {  	_ =	shalt  }
tec
execute0_lowered:
.L_overlay_start_1:
0x0: {  	(tag) =	ssettag $0x1  }
0x1: {  	s13 =	rddreg [dreg:$0x0]  }
0x2: {  	s1 =	rddreg [dreg:$0x1]  }
0x3: {  	s2 =	srdreg.scid;
	s0 =	rddreg [dreg:$0x2];
	s3 =	simm.s32 $0x0  }
0x4: {  	s16 =	simm.s32 $0x14100;
	s17 =	simm.s32 $0x2;
	s18 =	simm.s32 $0x14000  }
0x5: {  	s19 =	simm.s32 $0x14080;
	s20 =	simm.s32 $0x80;
	s21 =	simm.s32 $0x1  }
0x6: {  	s22 =	simm.s32 $0x18100;
	s8 =	sand.u32 $0x1, s2;
	s2 =	stileid.u32  }
0x7: {  	s23 =	simm.s32 $0x0;
	[smem:$0x7FF] =	sst s3;
	s5 =	smul.u32 $0x140000, s8  }
0x8: {  	s4 =	sadd.s32 $0x1D600, s13;
	s6 =	smul.u32 $0x14000, s2;
	_ =	strace $0x8000004A  }
0x9: {  	s9 =	smul.u32 $0x50000, s2;
	s10 =	ssub.s32 $0x2, s8;
	s11 =	sshll.u32 s2, $0x1  }
0xa: {  	s31 =	sshrl.u32 s10, $0x1;
	s12 =	sor.u32 s8, s11;
	s7 =	sadd.s32 s6, s5  }
0xb: {  	s5 =	sadd.s32 $0x9A00, s13;
	s6 =	sadd.s32 $0x13800, s13;
	s30 =	sshrl.u32 s9, $0x2  }
0xc: {  	s15 =	ssub.s32 s10, s31;
	s12 =	smul.u32 $0x2780, s12;
	s7 =	sshrl.u32 s7, $0x3  }
0xd: {  	s15 =	smax.u32 s15, $0x1;
	s14 =	sadd.s32 s7, s13;
	s7 =	sadd.s32 s30, s1  }
0xe: {  	s13 =	sadd.s32 $0x13E3A00, s13;
	s8 =	sadd.s32 $0x4000, s7;
	s9 =	sadd.s32 $0x8000, s7  }
0xf: {  	v0 =	vimm.f32 $0.0e+00;
	s10 =	sadd.s32 $0xC000, s7;
	s11 =	sadd.s32 $0x10000, s7;
	s14 =	sadd.s32 $0x6D600, s14  }
.LBB2_1:
0x10: {  	s24 =	sand.u32 $0xFE00, s3  }
0x11: {  	s25 =	sand.u32 $0x70, s3;
	s26 =	sshrl.u32 s24, $0x2  }
0x12: {  	s24 =	simm.s32 $0x40;
	s26 =	sor.u32 s25, s26;
	s25 =	simm.s32 $0x0  }
.LBB2_2:
0x13: {  	p0 =	sne.s32 s24, $0xFFC0  }
0x14: {  	[tilespmem:s26+$0x14100] =	vst v0;
	s25 =	sadd.s32 $0x10, s25;
	s26 =	smov.u32 s24;
	s24 =	sadd.s32 $0x40, s24  }
.Ltmp0:
0x15: {  	(pc) =	sbr.rel @p0 .LBB2_2-.Ltmp0, $4  }
0x16: {  	_ = 	snop  }
0x17: {  	s26 =	sand.u32 $0xFE00, s26  }
0x18: {  	s28 =	sand.u32 $0x70, s25;
	s26 =	sshrl.u32 s26, $0x2  }
0x19: {  	s26 =	sor.u32 s28, s26  }
0x1a: {  	[tilespmem:s26+$0x14100] =	vst v0  }
0x1b: {  	[spmem:s7] =	stream.linear.scatter [tilespmem:s16], [sflag:$0x2], $0x4000, $0x38;
	[tilespmem:$0x1C100] =	vst v63  }
0x1c: {  	_ =	swait.ge [sflag:s17], $0x4000  }
0x1d: {  	[sflag:s17] =	ssyncset.done $0x0  }
0x1e: {  	[sflag:s17] =	ssyncadd.s32 $0xFFFFC000  }
0x1f: {  	[spmem:s8] =	stream.linear.scatter [tilespmem:s16], [sflag:$0x2], $0x4000, $0x38;
	[tilespmem:$0x1C100] =	vst v63  }
0x20: {  	_ =	swait.ge [sflag:s17], $0x4000  }
0x21: {  	[sflag:s17] =	ssyncset.done $0x0  }
0x22: {  	[sflag:s17] =	ssyncadd.s32 $0xFFFFC000  }
0x23: {  	[spmem:s9] =	stream.linear.scatter [tilespmem:s16], [sflag:$0x2], $0x4000, $0x38;
	[tilespmem:$0x1C100] =	vst v63  }
0x24: {  	_ =	swait.ge [sflag:s17], $0x4000  }
0x25: {  	[sflag:s17] =	ssyncset.done $0x0  }
0x26: {  	[sflag:s17] =	ssyncadd.s32 $0xFFFFC000  }
0x27: {  	[spmem:s10] =	stream.linear.scatter [tilespmem:s16], [sflag:$0x2], $0x4000, $0x38;
	[tilespmem:$0x1C100] =	vst v63  }
0x28: {  	_ =	swait.ge [sflag:s17], $0x4000  }
0x29: {  	[sflag:s17] =	ssyncset.done $0x0  }
0x2a: {  	[sflag:s17] =	ssyncadd.s32 $0xFFFFC000  }
0x2b: {  	[spmem:s11] =	stream.linear.scatter [tilespmem:s16], [sflag:$0x2], $0x4000, $0x38;
	[tilespmem:$0x1C100] =	vst v63  }
0x2c: {  	_ =	swait.ge [sflag:s17], $0x4000  }
0x2d: {  	[sflag:s17] =	ssyncset.done $0x0  }
0x2e: {  	[sflag:s17] =	ssyncadd.s32 $0xFFFFC000  }
0x2f: {  	s24 =	simm.s32 $0x0;
	s25 =	simm.s32 $0x0;
	[bflag:$0x0] =	sbarrier.arrive $0xFFFF  }
.LBB2_4:
0x30: {  	s26 =	sshll.u32 s25, $0x7  }
0x31: {  	s26 =	sadd.s32 s12, s26  }
0x32: {  	s28 =	sshrl.u32 s26, $0x3  }
0x33: {  	s29 =	sadd.s32 s5, s28  }
0x34: {  	[tilespmem:s18], [sflag:$0x2] =	stream.linear.gather [hbm4b:s29+s24], $0x80, $0x38;
	[tilespmem:$0x1C100] =	vst v63  }
0x35: {  	_ =	swait.ge [sflag:s17], $0x80  }
0x36: {  	[sflag:s17] =	ssyncset.done $0x0  }
0x37: {  	s28 =	sadd.s32 s6, s28;
	[sflag:s17] =	ssyncadd.s32 $0xFFFFFF80  }
0x38: {  	[tilespmem:s19], [sflag:$0x2] =	stream.linear.gather [hbm4b:s28+s24], $0x80, $0x38;
	[tilespmem:$0x1C100] =	vst v63  }
0x39: {  	_ =	swait.ge [sflag:s17], $0x80  }
0x3a: {  	[sflag:s17] =	ssyncset.done $0x0  }
0x3b: {  	[sflag:s17] =	ssyncadd.s32 $0xFFFFFF80  }
0x3c: {  	[tilespmem:s16], [sflag:$0x1] =	stream.indirect.gather [hbm4b:s4+s20], $0x80, s18, s20, $0xb8;
	[tilespmem:$0x1C100] =	vst v63  }
0x3d: {  	_ =	swait.ge [sflag:s21], $0x4000  }
0x3e: {  	s26 =	sshll.u32 s26, $0x4;
	[sflag:s21] =	ssyncset.done $0x0  }
0x3f: {  	s26 =	sadd.s32 s26, s13;
	[sflag:s21] =	ssyncadd.s32 $0xFFFFC000  }
0x40: {  	[tilespmem:s22], [sflag:$0x2] =	stream.linear.gather [hbm4b:s26+s24], $0x4000, $0x38;
	[tilespmem:$0x1C100] =	vst v63  }
0x41: {  	_ =	swait.ge [sflag:s17], $0x4000  }
0x42: {  	[sflag:s17] =	ssyncset.done $0x0  }
0x43: {  	s26 =	simm.s32 $0x0;
	[sflag:s17] =	ssyncadd.s32 $0xFFFFC000  }
0x44: {  	s28 =	simm.s32 $0x40;
	v1 =	vld [tilespmem:s26+$0x14100]  }
.LBB2_5:
0x45: {  	p0 =	sne.s32 s28, $0xFFC0;
	v2 =	vld [tilespmem:s26+$0x18100];
	_ =	sdelay $0x3  }
.Ltmp1:
0x46: {  	(pc) =	sbr.rel @p0 .LBB2_5-.Ltmp1, $3  }
0x47: {  	v1 =	vadd.f32 v2, v1;
	_ =	sdelay $0x1  }
0x48: {  	s29 =	sshra.s32 s28, $0x2;
	v2 =	vmax.f32 v1, $0.0e+00  }
0x49: {  	s28 =	sadd.s32 $0x40, s28;
	v1 =	vld [tilespmem:s29+$0x14100];
	[tilespmem:s26+$0x18100] =	vst v2;
	s26 =	smov.u32 s29  }
0x4a: {  	v2 =	vld [tilespmem:s26+$0x18100];
	_ =	sdelay $0x4  }
0x4b: {  	v1 =	vadd.f32 v2, v1  }
0x4c: {  	s25 =	sadd.s32 $0x1, s25  }
0x4d: {  	p0 =	sne.s32 s25, $0x4F;
	v1 =	vmax.f32 v1, $0.0e+00  }
.Ltmp2:
0x4e: {  	[tilespmem:s26+$0x18100] =	vst v1;
	(pc) =	sbr.rel @p0 .LBB2_4-.Ltmp2, $4  }
0x4f: {  	[spmem:s1] =	stream.indirect.scatter.add.f32 [tilespmem:s22], [sflag:$0x2], $0x80, s19, s20, $0xb8;
	[tilespmem:$0x1C100] =	vst v63  }
0x50: {  	_ =	swait.ge [sflag:s17], $0x4000  }
0x51: {  	[sflag:s17] =	ssyncset.done $0x0  }
0x52: {  	[sflag:s17] =	ssyncadd.s32 $0xFFFFC000  }
0x53: {  	s23 =	sadd.s32 $0x1, s23  }
0x54: {  	s24 =	sshll.u32 s2, $0x6;
	[bflag:$0x0] =	sbarrier.arrive $0xFFFF;
	p0 =	sne.s32 s23, s15  }
.Ltmp3:
0x55: {  	s25 =	sshrl.u32 s7, $0x3;
	s24 =	sor.u32 $0x1C02, s24;
	(pc) =	sbr.rel @p0 .LBB2_1-.Ltmp3, $4  }
0x56: {  	[hbm:s14], [sflag:s24] =	dma.local [spmem:s25], $0x2800  }
0x57: {  	_ =	swait.ge [sflag:s17], $0x2800  }
0x58: {  	[sflag:s17] =	ssyncset.done $0x0  }
0x59: {  	[sflag:s17] =	ssyncadd.s32 $0xFFFFD800  }
0x5a: {  	_ =	sfence.sel $0x180000  }
0x5b: {  	[bflag:$0x0] =	sbarrier.arrive $0xFFFF  }
0x5c: {  	p0 =	sne.s32 s2, $0x0;
	_ =	strace $0x9000004A  }
0x5d: {  	s0 =	sadd.s32 @!p0 $0x100000, s0;
	[bflag:$0x2] =	sbarrier.arrive $0xFFFF  }
0x5e: {  	[sflag:s0] =	ssyncadd.tile.s32 @!p0 $0x1;
	_ =	shalt  }
.Lfunc_end2:
_tile_overlayer_lowered:
.L_overlay_start_2:
0x5f: {  	(tag) =	ssettag $0x2  }
0x60: {  	s0 =	rddreg [dreg:$0x0];
	s2 =	stileid.u32  }
0x61: {  	s1 =	rddreg [dreg:$0x1];
	p0 =	sne.s32 s2, $0x0  }
0x62: {  	s3 =	rddreg [dreg:$0x2];
	[bflag:$0x3] =	sbarrier.arrive $0xFFFF;
	s2 =	simm.s32 @!p0 $0x1C02  }
0x63: {  	[timem:s3], [sflag:s2] =	dma.local @!p0 [hbm:s0], s1  }
0x64: {  	s0 =	simm.s32 @!p0 $0x2  }
0x65: {  	_ =	swait.ge @!p0 [sflag:s0], s1  }
0x66: {  	s1 =	ssub.s32 @!p0 $0x0, s1;
	[sflag:s0] =	ssyncset.done @!p0 $0x0  }
0x67: {  	[sflag:s0] =	ssyncadd.s32 @!p0 s1  }
0x68: {  	[bflag:$0x3] =	sbarrier.arrive $0xFFFF  }
0x69: {  	_ =	shalt  }

// kernel: kernel.16.cloned.1.call-start
scs
__scs_entry_jumppad:
0x0: {  	(pc) =	sbr.rel $0x88, $3  }
0x1: {  	(tag) =	ssettag $0x0;
	lr =	simm.s32 $0x1  }
0x2: {  	[smem:$0x3F8E] =	sst lr;
	_ =	strace $0xD0000000  }
0x3: {  	_ = 	snop  }
0x4: {  	_ = 	snop  }
0x5: {  	_ = 	snop  }
0x6: {  	_ = 	snop  }
0x7: {  	_ = 	snop  }
__scs_overlays_trampoline_lowered:
0x8: {  	[smem:$0x3F9D] =	sst s0  }
0x9: {  	[smem:$0x3F9E] =	sst s1  }
0xa: {  	[smem:$0x3F9F] =	sst s2  }
0xb: {  	[smem:$0x3FA0] =	sst s3  }
0xc: {  	[smem:$0x3FA1] =	sst s4  }
0xd: {  	[smem:$0x3FA2] =	sst s5  }
0xe: {  	[smem:$0x3FA3] =	sst s6  }
0xf: {  	[smem:$0x3FA4] =	sst s7  }
0x10: {  	[smem:$0x3FA5] =	sst s8  }
0x11: {  	[smem:$0x3FA6] =	sst s9;
	s0 =	simm.s32 @!p0 $0x0  }
0x12: {  	s1 =	sld [smem:$0x3F8C];
	s0 =	simm.s32 @p0 $0x1  }
0x13: {  	[smem:$0x3FA7] =	sst s0;
	s0 =	simm.s32 @!p1 $0x0  }
0x14: {  	s2 =	sld [smem:$0x3F8B];
	s0 =	simm.s32 @p1 $0x1  }
0x15: {  	[smem:$0x3FA8] =	sst s0;
	s0 =	simm.s32 @!p2 $0x0  }
0x16: {  	s3 =	sld [smem:$0x3FDB];
	s0 =	simm.s32 @p2 $0x1  }
0x17: {  	s4 =	simm.s32 $0x1BF5;
	[smem:$0x3FAA] =	sst s0  }
0x18: {  	s0 =	sld [smem:$0x3F8D];
	_ =	swait.ge [sflag:s4], $0x0  }
0x19: {  	s7 =	sld [smem:$0x3F8E]  }
0x1a: {  	s8 =	sadd.s32 $0xFFFFE003, lr  }
0x1b: {  	s9 =	sadd.s32 $0xFFFFFEF7, lr;
	s5 =	simm.s32 $0xFFFFFFFF;
	p2 =	slt.u32 s8, $0xFFFFF086  }
0x1c: {  	p1 =	slt.u32 s9, $0xF7A;
	s5 =	simm.s32 @!p2 $0x0  }
0x1d: {  	s5 =	simm.s32 @p1 $0x1;
	p0 =	seq.s32 s7, s2  }
0x1e: {  	s7 =	smul.u32 @!p0 $0xF7A, s2;
	p2 =	seq.s32 @!p0 s5, $0x0  }
0x1f: {  	s9 =	smul.u32 $0xF7A, s1;
	s8 =	simm.s32 @!p0 $0x1BF5;
	p2 =	por !p2, p0  }
0x20: {  	[sflag:s8] =	ssyncset.s32 @!p0 $0xFFFFF086;
	s6 =	sadd.s32 @!p0 s3, s7;
	s7 =	simm.s32 @!p0 $0x108  }
0x21: {  	s3 =	sadd.s32 s3, s9;
	s6 =	sadd.s32 @!p0 $0x88, s6;
	s7 =	simm.s32 @p2 $0x1082  }
0x22: {  	[simem:s7], [sflag:s8] =	dma.local @!p0 [hbm:s6], $0xF7A  }
0x23: {  	s9 =	sor.u32 $0xD0000000, s2;
	s6 =	simm.s32 $0x108;
	_ =	swait.ge @!p0 [sflag:s8], $0x0  }
0x24: {  	s3 =	sadd.s32 $0x88, s3;
	s6 =	simm.s32 @!p1 $0x1082;
	[sflag:s4] =	ssyncset.s32 $0xFFFFF086  }
0x25: {  	[simem:s6], [sflag:s4] =	dma.local [hbm:s3], $0xF7A  }
0x26: {  	[smem:$0x3F8E] =	sst s1;
	(tag) =	ssettag s2;
	_ =	strace s9  }
0x27: {  	s1 =	sld [smem:$0x3F9E]  }
0x28: {  	s2 =	sld [smem:$0x3F9F]  }
0x29: {  	s4 =	sld [smem:$0x3FA1]  }
0x2a: {  	p0 =	seq.s32 s5, $0x0;
	s5 =	sld [smem:$0x3FA2]  }
0x2b: {  	s6 =	sld [smem:$0x3FA3]  }
0x2c: {  	s7 =	sld [smem:$0x3FA4]  }
0x2d: {  	s3 =	simm.s32 $0x108;
	s8 =	sld [smem:$0x3FA5]  }
0x2e: {  	s3 =	simm.s32 @!p0 $0x1082;
	s9 =	sld [smem:$0x3FA6]  }
0x2f: {  	lr =	sadd.s32 s0, s3;
	s0 =	sld [smem:$0x3F9D]  }
0x30: {  	s3 =	sld [smem:$0x3FA0]  }
0x31: {  	[smem:$0x3FA9] =	sst s10  }
0x32: {  	s10 =	sld [smem:$0x3FA7];
	_ =	sdelay $0x3  }
0x33: {  	p0 =	seq.s32 s10, $0x1;
	s10 =	sld [smem:$0x3FA9];
	_ =	sdelay $0x3  }
0x34: {  	[smem:$0x3FA9] =	sst s10  }
0x35: {  	s10 =	sld [smem:$0x3FA8];
	_ =	sdelay $0x3  }
0x36: {  	p1 =	seq.s32 s10, $0x1;
	s10 =	sld [smem:$0x3FA9];
	_ =	sdelay $0x3  }
0x37: {  	[smem:$0x3FA9] =	sst s10  }
0x38: {  	s10 =	sld [smem:$0x3FAA]  }
0x39: {  	_ = 	snop;
	(pc) =	sbr.ind lr, $3  }
0x3a: {  	_ = 	snop  }
0x3b: {  	_ = 	snop  }
0x3c: {  	p2 =	seq.s32 s10, $0x1;
	s10 =	sld [smem:$0x3FA9]  }
0x3d: {  	_ =	shalt  }
0x3e: {  	_ =	shalt  }
0x3f: {  	_ =	shalt  }
0x40: {  	_ =	shalt  }
0x41: {  	_ =	shalt  }
0x42: {  	_ =	shalt  }
0x43: {  	_ =	shalt  }
0x44: {  	_ =	shalt  }
0x45: {  	_ =	shalt  }
0x46: {  	_ =	shalt  }
0x47: {  	_ =	shalt  }
0x48: {  	_ =	shalt  }
0x49: {  	_ =	shalt  }
0x4a: {  	_ =	shalt  }
0x4b: {  	_ =	shalt  }
0x4c: {  	_ =	shalt  }
0x4d: {  	_ =	shalt  }
0x4e: {  	_ =	shalt  }
0x4f: {  	_ =	shalt  }
0x50: {  	_ =	shalt  }
0x51: {  	_ =	shalt  }
0x52: {  	_ =	shalt  }
0x53: {  	_ =	shalt  }
0x54: {  	_ =	shalt  }
0x55: {  	_ =	shalt  }
0x56: {  	_ =	shalt  }
0x57: {  	_ =	shalt  }
0x58: {  	_ =	shalt  }
0x59: {  	_ =	shalt  }
0x5a: {  	_ =	shalt  }
0x5b: {  	_ =	shalt  }
0x5c: {  	_ =	shalt  }
0x5d: {  	_ =	shalt  }
0x5e: {  	_ =	shalt  }
0x5f: {  	_ =	shalt  }
0x60: {  	_ =	shalt  }
0x61: {  	_ =	shalt  }
0x62: {  	_ =	shalt  }
0x63: {  	_ =	shalt  }
0x64: {  	_ =	shalt  }
0x65: {  	_ =	shalt  }
0x66: {  	_ =	shalt  }
0x67: {  	_ =	shalt  }
0x68: {  	_ =	shalt  }
0x69: {  	_ =	shalt  }
0x6a: {  	_ =	shalt  }
0x6b: {  	_ =	shalt  }
0x6c: {  	_ =	shalt  }
0x6d: {  	_ =	shalt  }
0x6e: {  	_ =	shalt  }
0x6f: {  	_ =	shalt  }
0x70: {  	_ =	shalt  }
0x71: {  	_ =	shalt  }
0x72: {  	_ =	shalt  }
0x73: {  	_ =	shalt  }
0x74: {  	_ =	shalt  }
0x75: {  	_ =	shalt  }
0x76: {  	_ =	shalt  }
0x77: {  	_ =	shalt  }
0x78: {  	_ =	shalt  }
0x79: {  	_ =	shalt  }
0x7a: {  	_ =	shalt  }
0x7b: {  	_ =	shalt  }
0x7c: {  	_ =	shalt  }
0x7d: {  	_ =	shalt  }
0x7e: {  	_ =	shalt  }
0x7f: {  	_ =	shalt  }
0x80: {  	_ =	shalt  }
0x81: {  	_ =	shalt  }
0x82: {  	_ =	shalt  }
0x83: {  	_ =	shalt  }
0x84: {  	_ =	shalt  }
0x85: {  	_ =	shalt  }
0x86: {  	_ =	shalt  }
0x87: {  	_ =	shalt  }
.Lfunc_end0:
.L_simem_size_0:
called_computation.2_lowered:
.L_overlay_start_0:
0x88: {  	s2 =	sld [smem:$0x3FD9]  }
0x89: {  	s3 =	sld [smem:$0x3FFE];
	_ =	sdelay $0x1  }
0x8a: {  	s1 =	srdreg.scid  }
0x8b: {  	s0 =	sand.u32 $0x1, s1  }
0x8c: {  	s16 =	sshll.u32 s0, $0xA;
	s2 =	sadd.s32 s3, s2  }
0x8d: {  	s2 =	sadd.s32 s2, s16  }
0x8e: {  	[smem:$0x3FB5] =	sst s2  }
0x8f: {  	_ = 	snop  }
0x90: {  	(tm) =	ssettm $0x1  }
0x91: {  	s17 =	sld [smem:$0x3FFB];
	_ =	sdelay $0x3  }
0x92: {  	_ =	strace s17  }
0x93: {  	s2 =	sld [smem:$0x3FFC];
	_ =	sdelay $0x3  }
0x94: {  	_ =	strace s2  }
0x95: {  	s2 =	sld [smem:$0x3FFD];
	_ =	sdelay $0x3  }
0x96: {  	_ =	strace s2  }
0x97: {  	_ =	strace $0x8FFFFFFF  }
0x98: {  	s18 =	sld [smem:$0x3FDB];
	_ =	sdelay $0x1  }
0x99: {  	s19 =	simm.s32 $_scs_section_size  }
0x9a: {  	s4 =	simm.s32 $_size__tile_overlayer_lowered;
	s5 =	simm.s32 $_tile_overlayer_lowered  }
0x9b: {  	s22 =	simm.s32 $0x1BFF;
	s21 =	sshll.u32 s5, $0x1;
	s2 =	sadd.s32 s19, s18  }
0x9c: {  	s6 =	simm.s32 $0x0;
	s20 =	sshll.u32 s4, $0x1;
	s4 =	sadd.s32 s21, s2  }
0x9d: {  	[timem:s6], [sflag:s22] =	dma.local [hbm:s4], s20  }
0x9e: {  	_ =	swait.ge [sflag:s22], s20  }
0x9f: {  	s3 =	ssub.s32 $0x0, s20;
	[sflag:s22] =	ssyncset.done $0x0  }
0xa0: {  	[sflag:s22] =	ssyncadd.s32 s3;
	_ =	sdelay $0x1  }
0xa1: {  	s23 =	simm.s32 $0x1B8B  }
0xa2: {  	_ =	swait.ge [sflag:s23], $0x1  }
0xa3: {  	[sflag:s23] =	ssyncset.done $0x0  }
0xa4: {  	s25 =	simm.s32 $0x1B8E;
	s24 =	sld [smem:$0x3FFE];
	[sflag:s23] =	ssyncadd.s32 $0xFFFFFFFF  }
0xa5: {  	s26 =	simm.s32 $execute0_lowered;
	[smem:$0x3FD2] =	sst s25  }
0xa6: {  	s4 =	sshll.u32 s26, $0x1;
	_ =	strace $0x8000004C;
	[dreg:$0x1] =	wrdreg $0xFFFFFFFF  }
0xa7: {  	s28 =	simm.s32 $_size_execute0_lowered;
	s2 =	sadd.s32 s2, s4;
	[dreg:$0x0] =	wrdreg $0x0  }
0xa8: {  	s4 =	sshll.u32 s28, $0x1;
	[dreg:$0x2] =	wrdreg s2  }
0xa9: {  	[dreg:$0x3] =	wrdreg s4  }
0xaa: {  	[dreg:$0x4] =	wrdreg $0xC0  }
0xab: {  	_ =	task [dreg:s6], $0x5FFFF  }
0xac: {  	[dreg:$0x1] =	wrdreg $0xFFFFFFFF  }
0xad: {  	[dreg:$0x0] =	wrdreg $0x60  }
0xae: {  	[dreg:$0x2] =	wrdreg s24  }
0xaf: {  	[dreg:$0x3] =	wrdreg $0x0  }
0xb0: {  	[dreg:$0x4] =	wrdreg $0x9  }
0xb1: {  	_ =	task.clear_ibuf [dreg:s6], $0x5FFFF;
	_ =	strace $0x9000004C  }
0xb2: {  	s29 =	simm.s32 $0x9;
	_ =	strace $0x8000004E  }
0xb3: {  	_ =	swait.ge [sflag:s29], $0x1  }
0xb4: {  	[sflag:s29] =	ssyncadd.s32 $0xFFFFFFFF  }
0xb5: {  	_ =	strace $0x9000004E  }
0xb6: {  	_ =	sfence  }
0xb7: {  	s30 =	sld [smem:$0x0];
	_ =	sdelay $0x2  }
0xb8: {  	s31 =	sshll.u32 s1, $0xD;
	s1 =	sshrl.u32 s1, $0x2  }
0xb9: {  	s3 =	sand.u32 $0x4000, s31;
	s1 =	sadd.s32 s1, s30  }
0xba: {  	s0 =	sor.u32 s3, s0;
	s1 =	sshll.u32 s1, $0x11  }
0xbb: {  	s0 =	sor.u32 s1, s0  }
0xbc: {  	s0 =	sadd.s32 $0x8F2B, s0  }
0xbd: {  	[sflag:s0] =	ssyncadd.remote.s32 $0x1  }
0xbe: {  	_ =	sfence.sel $0xFFFF  }
0xbf: {  	[dreg:$0x0] =	wrdreg $0xFFFFFFFF;
	(pc) =	sbr.abs _section_cstart, $3  }
0xc0: {  	[dreg:$0x1] =	wrdreg $0xFFFFFFFF  }
0xc1: {  	_ =	task.clear_ibuf [dreg:s6], $0x2FFFF;
	_ =	strace $0x9FFFFFFF  }
0xc2: {  	(tm) =	ssettm $0x7FFFFFFF  }
0xc3: {  	_ =	shalt  }
tec
execute0_lowered:
.L_overlay_start_1:
0x0: {  	(tag) =	ssettag $0x1  }
0x1: {  	s13 =	rddreg [dreg:$0x0]  }
0x2: {  	s1 =	rddreg [dreg:$0x1]  }
0x3: {  	s2 =	srdreg.scid;
	s0 =	rddreg [dreg:$0x2];
	s3 =	simm.s32 $0x0  }
0x4: {  	s16 =	simm.s32 $0x14100;
	s17 =	simm.s32 $0x2;
	s18 =	simm.s32 $0x14000  }
0x5: {  	s19 =	simm.s32 $0x14080;
	s20 =	simm.s32 $0x80;
	s21 =	simm.s32 $0x1  }
0x6: {  	s22 =	simm.s32 $0x18100;
	s8 =	sand.u32 $0x1, s2;
	s2 =	stileid.u32  }
0x7: {  	s23 =	simm.s32 $0x0;
	[smem:$0x7FF] =	sst s3;
	s5 =	smul.u32 $0x140000, s8  }
0x8: {  	s4 =	sadd.s32 $0x1D600, s13;
	s6 =	smul.u32 $0x14000, s2;
	_ =	strace $0x8000004D  }
0x9: {  	s9 =	smul.u32 $0x50000, s2;
	s10 =	ssub.s32 $0x2, s8;
	s11 =	sshll.u32 s2, $0x1  }
0xa: {  	s31 =	sshrl.u32 s10, $0x1;
	s12 =	sor.u32 s8, s11;
	s7 =	sadd.s32 s6, s5  }
0xb: {  	s5 =	sadd.s32 $0x9A00, s13;
	s6 =	sadd.s32 $0x13800, s13;
	s30 =	sshrl.u32 s9, $0x2  }
0xc: {  	s15 =	ssub.s32 s10, s31;
	s12 =	smul.u32 $0x2780, s12;
	s7 =	sshrl.u32 s7, $0x3  }
0xd: {  	s15 =	smax.u32 s15, $0x1;
	s14 =	sadd.s32 s7, s13;
	s7 =	sadd.s32 s30, s1  }
0xe: {  	s13 =	sadd.s32 $0x18D3A00, s13;
	s8 =	sadd.s32 $0x4000, s7;
	s9 =	sadd.s32 $0x8000, s7  }
0xf: {  	v0 =	vimm.f32 $0.0e+00;
	s10 =	sadd.s32 $0xC000, s7;
	s11 =	sadd.s32 $0x10000, s7;
	s14 =	sadd.s32 $0x6D600, s14  }
.LBB2_1:
0x10: {  	s24 =	sand.u32 $0xFE00, s3  }
0x11: {  	s25 =	sand.u32 $0x70, s3;
	s26 =	sshrl.u32 s24, $0x2  }
0x12: {  	s24 =	simm.s32 $0x40;
	s26 =	sor.u32 s25, s26;
	s25 =	simm.s32 $0x0  }
.LBB2_2:
0x13: {  	p0 =	sne.s32 s24, $0xFFC0  }
0x14: {  	[tilespmem:s26+$0x14100] =	vst v0;
	s25 =	sadd.s32 $0x10, s25;
	s26 =	smov.u32 s24;
	s24 =	sadd.s32 $0x40, s24  }
.Ltmp0:
0x15: {  	(pc) =	sbr.rel @p0 .LBB2_2-.Ltmp0, $4  }
0x16: {  	_ = 	snop  }
0x17: {  	s26 =	sand.u32 $0xFE00, s26  }
0x18: {  	s28 =	sand.u32 $0x70, s25;
	s26 =	sshrl.u32 s26, $0x2  }
0x19: {  	s26 =	sor.u32 s28, s26  }
0x1a: {  	[tilespmem:s26+$0x14100] =	vst v0  }
0x1b: {  	[spmem:s7] =	stream.linear.scatter [tilespmem:s16], [sflag:$0x2], $0x4000, $0x38;
	[tilespmem:$0x1C100] =	vst v63  }
0x1c: {  	_ =	swait.ge [sflag:s17], $0x4000  }
0x1d: {  	[sflag:s17] =	ssyncset.done $0x0  }
0x1e: {  	[sflag:s17] =	ssyncadd.s32 $0xFFFFC000  }
0x1f: {  	[spmem:s8] =	stream.linear.scatter [tilespmem:s16], [sflag:$0x2], $0x4000, $0x38;
	[tilespmem:$0x1C100] =	vst v63  }
0x20: {  	_ =	swait.ge [sflag:s17], $0x4000  }
0x21: {  	[sflag:s17] =	ssyncset.done $0x0  }
0x22: {  	[sflag:s17] =	ssyncadd.s32 $0xFFFFC000  }
0x23: {  	[spmem:s9] =	stream.linear.scatter [tilespmem:s16], [sflag:$0x2], $0x4000, $0x38;
	[tilespmem:$0x1C100] =	vst v63  }
0x24: {  	_ =	swait.ge [sflag:s17], $0x4000  }
0x25: {  	[sflag:s17] =	ssyncset.done $0x0  }
0x26: {  	[sflag:s17] =	ssyncadd.s32 $0xFFFFC000  }
0x27: {  	[spmem:s10] =	stream.linear.scatter [tilespmem:s16], [sflag:$0x2], $0x4000, $0x38;
	[tilespmem:$0x1C100] =	vst v63  }
0x28: {  	_ =	swait.ge [sflag:s17], $0x4000  }
0x29: {  	[sflag:s17] =	ssyncset.done $0x0  }
0x2a: {  	[sflag:s17] =	ssyncadd.s32 $0xFFFFC000  }
0x2b: {  	[spmem:s11] =	stream.linear.scatter [tilespmem:s16], [sflag:$0x2], $0x4000, $0x38;
	[tilespmem:$0x1C100] =	vst v63  }
0x2c: {  	_ =	swait.ge [sflag:s17], $0x4000  }
0x2d: {  	[sflag:s17] =	ssyncset.done $0x0  }
0x2e: {  	[sflag:s17] =	ssyncadd.s32 $0xFFFFC000  }
0x2f: {  	s24 =	simm.s32 $0x0;
	s25 =	simm.s32 $0x0;
	[bflag:$0x0] =	sbarrier.arrive $0xFFFF  }
.LBB2_4:
0x30: {  	s26 =	sshll.u32 s25, $0x7  }
0x31: {  	s26 =	sadd.s32 s12, s26  }
0x32: {  	s28 =	sshrl.u32 s26, $0x3  }
0x33: {  	s29 =	sadd.s32 s5, s28  }
0x34: {  	[tilespmem:s18], [sflag:$0x2] =	stream.linear.gather [hbm4b:s29+s24], $0x80, $0x38;
	[tilespmem:$0x1C100] =	vst v63  }
0x35: {  	_ =	swait.ge [sflag:s17], $0x80  }
0x36: {  	[sflag:s17] =	ssyncset.done $0x0  }
0x37: {  	s28 =	sadd.s32 s6, s28;
	[sflag:s17] =	ssyncadd.s32 $0xFFFFFF80  }
0x38: {  	[tilespmem:s19], [sflag:$0x2] =	stream.linear.gather [hbm4b:s28+s24], $0x80, $0x38;
	[tilespmem:$0x1C100] =	vst v63  }
0x39: {  	_ =	swait.ge [sflag:s17], $0x80  }
0x3a: {  	[sflag:s17] =	ssyncset.done $0x0  }
0x3b: {  	[sflag:s17] =	ssyncadd.s32 $0xFFFFFF80  }
0x3c: {  	[tilespmem:s16], [sflag:$0x1] =	stream.indirect.gather [hbm4b:s4+s20], $0x80, s18, s20, $0xb8;
	[tilespmem:$0x1C100] =	vst v63  }
0x3d: {  	_ =	swait.ge [sflag:s21], $0x4000  }
0x3e: {  	s26 =	sshll.u32 s26, $0x4;
	[sflag:s21] =	ssyncset.done $0x0  }
0x3f: {  	s26 =	sadd.s32 s26, s13;
	[sflag:s21] =	ssyncadd.s32 $0xFFFFC000  }
0x40: {  	[tilespmem:s22], [sflag:$0x2] =	stream.linear.gather [hbm4b:s26+s24], $0x4000, $0x38;
	[tilespmem:$0x1C100] =	vst v63  }
0x41: {  	_ =	swait.ge [sflag:s17], $0x4000  }
0x42: {  	[sflag:s17] =	ssyncset.done $0x0  }
0x43: {  	s26 =	simm.s32 $0x0;
	[sflag:s17] =	ssyncadd.s32 $0xFFFFC000  }
0x44: {  	s28 =	simm.s32 $0x40;
	v1 =	vld [tilespmem:s26+$0x14100]  }
.LBB2_5:
0x45: {  	p0 =	sne.s32 s28, $0xFFC0;
	v2 =	vld [tilespmem:s26+$0x18100];
	_ =	sdelay $0x3  }
.Ltmp1:
0x46: {  	(pc) =	sbr.rel @p0 .LBB2_5-.Ltmp1, $3  }
0x47: {  	v1 =	vadd.f32 v2, v1;
	_ =	sdelay $0x1  }
0x48: {  	s29 =	sshra.s32 s28, $0x2;
	v2 =	vmax.f32 v1, $0.0e+00  }
0x49: {  	s28 =	sadd.s32 $0x40, s28;
	v1 =	vld [tilespmem:s29+$0x14100];
	[tilespmem:s26+$0x18100] =	vst v2;
	s26 =	smov.u32 s29  }
0x4a: {  	v2 =	vld [tilespmem:s26+$0x18100];
	_ =	sdelay $0x4  }
0x4b: {  	v1 =	vadd.f32 v2, v1  }
0x4c: {  	s25 =	sadd.s32 $0x1, s25  }
0x4d: {  	p0 =	sne.s32 s25, $0x4F;
	v1 =	vmax.f32 v1, $0.0e+00  }
.Ltmp2:
0x4e: {  	[tilespmem:s26+$0x18100] =	vst v1;
	(pc) =	sbr.rel @p0 .LBB2_4-.Ltmp2, $4  }
0x4f: {  	[spmem:s1] =	stream.indirect.scatter.add.f32 [tilespmem:s22], [sflag:$0x2], $0x80, s19, s20, $0xb8;
	[tilespmem:$0x1C100] =	vst v63  }
0x50: {  	_ =	swait.ge [sflag:s17], $0x4000  }
0x51: {  	[sflag:s17] =	ssyncset.done $0x0  }
0x52: {  	[sflag:s17] =	ssyncadd.s32 $0xFFFFC000  }
0x53: {  	s23 =	sadd.s32 $0x1, s23  }
0x54: {  	s24 =	sshll.u32 s2, $0x6;
	[bflag:$0x0] =	sbarrier.arrive $0xFFFF;
	p0 =	sne.s32 s23, s15  }
.Ltmp3:
0x55: {  	s25 =	sshrl.u32 s7, $0x3;
	s24 =	sor.u32 $0x1C02, s24;
	(pc) =	sbr.rel @p0 .LBB2_1-.Ltmp3, $4  }
0x56: {  	[hbm:s14], [sflag:s24] =	dma.local [spmem:s25], $0x2800  }
0x57: {  	_ =	swait.ge [sflag:s17], $0x2800  }
0x58: {  	[sflag:s17] =	ssyncset.done $0x0  }
0x59: {  	[sflag:s17] =	ssyncadd.s32 $0xFFFFD800  }
0x5a: {  	_ =	sfence.sel $0x180000  }
0x5b: {  	[bflag:$0x0] =	sbarrier.arrive $0xFFFF  }
0x5c: {  	p0 =	sne.s32 s2, $0x0;
	_ =	strace $0x9000004D  }
0x5d: {  	s0 =	sadd.s32 @!p0 $0x100000, s0;
	[bflag:$0x2] =	sbarrier.arrive $0xFFFF  }
0x5e: {  	[sflag:s0] =	ssyncadd.tile.s32 @!p0 $0x1;
	_ =	shalt  }
.Lfunc_end2:
_tile_overlayer_lowered:
.L_overlay_start_2:
0x5f: {  	(tag) =	ssettag $0x2  }
0x60: {  	s0 =	rddreg [dreg:$0x0];
	s2 =	stileid.u32  }
0x61: {  	s1 =	rddreg [dreg:$0x1];
	p0 =	sne.s32 s2, $0x0  }
0x62: {  	s3 =	rddreg [dreg:$0x2];
	[bflag:$0x3] =	sbarrier.arrive $0xFFFF;
	s2 =	simm.s32 @!p0 $0x1C02  }
0x63: {  	[timem:s3], [sflag:s2] =	dma.local @!p0 [hbm:s0], s1  }
0x64: {  	s0 =	simm.s32 @!p0 $0x2  }
0x65: {  	_ =	swait.ge @!p0 [sflag:s0], s1  }
0x66: {  	s1 =	ssub.s32 @!p0 $0x0, s1;
	[sflag:s0] =	ssyncset.done @!p0 $0x0  }
0x67: {  	[sflag:s0] =	ssyncadd.s32 @!p0 s1  }
0x68: {  	[bflag:$0x3] =	sbarrier.arrive $0xFFFF  }
0x69: {  	_ =	shalt  }

</sc_bundles>
